<compile_context>
chip_gen: v7x
topology: tpu7x:2x2x1
jax: 0.10.2.dev20260603
libtpu: 0.0.44.dev20260713+nightly
codegen_flags: <defaults>
</compile_context>

<pallas_src>
import functools

import jax
import jax.numpy as jnp
from jax import lax
from jax.experimental import pallas as pl
from jax.experimental.pallas import tpu as pltpu
from jax.experimental.pallas import tpu_sc as plsc

_L = 16
_CHUNK_LT = 4
_CHUNK = _CHUNK_LT * 128
_RING = 64


def _lane(v, j):
    return lax.squeeze(lax.slice(v, (j,), (j + 1,)), (0,))


def _sload(ref, q):
    return _lane(ref[pl.ds(q, _L)], 0)


def _make_gather(num_rows, dim, batch_size):
    info = plsc.get_sparse_core_info()
    nc, ns = info.num_cores, info.num_subcores
    nw = nc * ns
    full_lt = num_rows // 128
    tail_start = full_lt * 128
    tail_n = num_rows - tail_start
    assert tail_n > 0
    w_rows = -(-num_rows // (nw * 128)) * 128
    w_lt = w_rows // 128
    n_chunks = -(-w_lt // _CHUNK_LT)
    n_chunks += n_chunks % 2
    clamp_lt = full_lt - _CHUNK_LT
    n_vec_all = batch_size // _L
    tail_bin = n_chunks

    mesh = plsc.VectorSubcoreMesh(core_axis_name="c", subcore_axis_name="s")

    @functools.partial(
        pl.kernel,
        mesh=mesh,
        out_type=jax.ShapeDtypeStruct((batch_size, dim), jnp.float32),
        scratch_types=[
            pltpu.VMEM((batch_size + _L,), jnp.int32),
            pltpu.VMEM((batch_size + _L,), jnp.int32),
            pltpu.VMEM((batch_size + _L,), jnp.int32),
            pltpu.VMEM((n_chunks + _L,), jnp.int32),
            pltpu.VMEM((dim, _CHUNK), jnp.float32),
            pltpu.VMEM((dim, _CHUNK), jnp.float32),
            pltpu.VMEM((dim * tail_n,), jnp.float32),
            pltpu.VMEM((_RING, dim), jnp.float32),
            pltpu.SemaphoreType.DMA,
            pltpu.SemaphoreType.DMA,
            pltpu.SemaphoreType.DMA,
        ],
        compiler_params=pltpu.CompilerParams(needs_layout_passes=False),
    )
    def gather_kernel(
        tableT_hbm, idx_hbm, tail_hbm, out_hbm,
        idx_all, my_i, my_i2, cur, buf0, buf1, tailbuf, ring,
        sem0, sem1, semo,
    ):
        wid = lax.axis_index("s") * nc + lax.axis_index("c")
        lo = wid * w_rows
        hi = lo + w_rows

        def chunk_off(c):
            s_lt = jnp.minimum(wid * w_lt + c * _CHUNK_LT, clamp_lt)
            return pl.multiple_of(s_lt * 128, 128)

        def start_chunk(c, buf, sem):
            off = chunk_off(c)
            for a in range(dim // 8):
                pltpu.make_async_copy(
                    tableT_hbm.at[pl.ds(a * 8, 8), pl.ds(off, _CHUNK)],
                    buf.at[pl.ds(a * 8, 8), :],
                    sem,
                ).start()

        def wait_chunk(c, buf, sem):
            pltpu.make_async_copy(
                tableT_hbm.at[:, pl.ds(chunk_off(c), _CHUNK)], buf, sem
            ).wait()

        start_chunk(0, buf0, sem0)
        start_chunk(1, buf1, sem1)
        pltpu.sync_copy(idx_hbm, idx_all.at[pl.ds(0, batch_size)])
        m0 = lax.iota(jnp.int32, _L) == 0

        def _sstore(ref, b, val):
            plsc.store_scatter(
                ref,
                [jnp.full((_L,), b, jnp.int32)],
                jnp.full((_L,), val, jnp.int32),
                mask=m0,
            )
        pltpu.sync_copy(tail_hbm, tailbuf)

        def scan_v(t, n):
            iv = idx_all[pl.ds(t * _L, _L)]
            pos = lax.iota(jnp.int32, _L) + t * _L
            m = (iv >= lo) & (iv < hi)
            cnt = _lane(plsc.all_reduce_population_count(m), 0)
            plsc.store_compressed(my_i.at[pl.ds(n, _L)], pos, mask=m)
            return n + cnt

        n = lax.fori_loop(0, n_vec_all, scan_v, 0)

        def item_bin(r):
            return jnp.where(
                r >= tail_start, tail_bin, (r - lo) >> 9
            ).astype(jnp.int32)

        for t in range((n_chunks + _L) // _L):
            cur[pl.ds(t * _L, _L)] = jnp.zeros((_L,), jnp.int32)

        def hist(q, c):
            b = item_bin(_sload(idx_all, _sload(my_i, q)))
            _sstore(cur, b, _sload(cur, b) + 1)
            return c

        lax.fori_loop(0, n, hist, 0)

        def prefix(b, s):
            c = _sload(cur, b)
            _sstore(cur, b, s)
            return s + c

        lax.fori_loop(0, tail_bin + 1, prefix, 0)

        def scatter(q, c):
            i = _sload(my_i, q)
            b = item_bin(_sload(idx_all, i))
            p = _sload(cur, b)
            _sstore(my_i2, p, i)
            _sstore(cur, b, p + 1)
            return c

        lax.fori_loop(0, n, scatter, 0)

        def drain_full():
            pltpu.make_async_copy(
                out_hbm.at[pl.ds(0, _RING)], ring, sem=semo
            ).wait()
            return jnp.int32(0)

        def serve(q, nb, src_ref, sub_base, row_w=None):
            i = _sload(my_i2, q)
            rl = _sload(idx_all, i) - sub_base
            slot = nb
            for k in range(dim // _L):
                dims = lax.iota(jnp.int32, _L) + k * _L
                if row_w is None:
                    g = plsc.load_gather(
                        src_ref, [dims, jnp.full((_L,), rl)]
                    )
                else:
                    g = plsc.load_gather(
                        src_ref, [dims * row_w + rl]
                    )
                ring[slot, pl.ds(k * _L, _L)] = g
            pltpu.make_async_copy(
                ring.at[pl.ds(slot, 1)], out_hbm.at[pl.ds(i, 1)], semo
            ).start()
            nb2 = nb + 1
            return lax.cond(nb2 >= _RING, drain_full, lambda: nb2)

        def bin_range(c):
            qlo = jnp.where(c > 0, _sload(cur, jnp.maximum(c - 1, 0)), 0)
            return qlo, _sload(cur, c)

        def process_chunk(c, buf, nb):
            base = chunk_off(c)
            qlo, qhi = bin_range(c)
            return lax.fori_loop(
                qlo, qhi, lambda q, nb: serve(q, nb, buf, base), nb
            )

        def pair_body(p, nb):
            c0 = p * 2
            wait_chunk(c0, buf0, sem0)
            nb = process_chunk(c0, buf0, nb)
            start_chunk(c0 + 2, buf0, sem0)
            wait_chunk(c0 + 1, buf1, sem1)
            nb = process_chunk(c0 + 1, buf1, nb)
            start_chunk(c0 + 3, buf1, sem1)
            return nb

        nb = lax.fori_loop(0, n_chunks // 2, pair_body, 0)
        wait_chunk(n_chunks, buf0, sem0)
        wait_chunk(n_chunks + 1, buf1, sem1)

        qlo, qhi = bin_range(tail_bin)
        nb = lax.fori_loop(
            qlo, qhi,
            lambda q, nb: serve(q, nb, tailbuf, tail_start, row_w=tail_n),
            nb,
        )

        def drain1(k, c):
            pltpu.make_async_copy(
                out_hbm.at[pl.ds(0, 1)], ring.at[pl.ds(0, 1)], semo
            ).wait()
            return c

        lax.fori_loop(0, nb, drain1, 0)

    return gather_kernel, tail_start


def kernel(batch, table):
    batch_size = batch.shape[0]
    num_rows, dim = table.shape
    gather_fn, tail_start = _make_gather(num_rows, dim, batch_size)
    return gather_fn(table.T, batch, table[tail_start:, :].T.reshape(-1))

# --- scband reference (transcript-rebuilt; emitter-appended) ---
"""Pipeline reference for scband-traj2-vec-25159918420077 (READ-ONLY COPY).

The authoritative reference and input builder live on the scoring server;
editing this copy changes nothing except your own understanding.
"""

import jax, jax.numpy as jnp
import numpy as np

NUM_NODES = 1000000
EMBED_DIM = 64
BATCH = 16384


def setup_inputs(seed: int = 0) -> dict:
    key = jax.random.key(seed)
    k1, k2 = jax.random.split(key)
    # Learned embedding table (nn.Embedding weight), N x embedding_dim
    table = jax.random.normal(k1, (NUM_NODES, EMBED_DIM), dtype=jnp.float32)
    batch = jax.random.randint(k2, (BATCH,), 0, NUM_NODES, dtype=jnp.int32)
    return {"batch": batch, "table": table}


def reference(batch, table):
    # Traj2Vec.forward: emb.index_select(0, batch)
    return jnp.take(table, batch, axis=0)

if __name__ == "__main__":
    import jax
    _d = setup_inputs()
    print(jax.jit(kernel)(*tuple(_d.values())))

</pallas_src>

<mosaic_0001>
#map = affine_map<(d0, d1) -> (0, 0)>
#map1 = affine_map<(d0, d1) -> (0)>
module attributes {stable_mosaic.version = 14 : i64} {
  func.func @gather_kernel(%arg0: i32, %arg1: i32, %arg2: memref<64x1000000xf32, #tpu.memory_space<hbm>>, %arg3: memref<16384xi32, #tpu.memory_space<hbm>>, %arg4: memref<4096xf32, #tpu.memory_space<hbm>>, %arg5: memref<16384x64xf32, #tpu.memory_space<hbm>>, %arg6: memref<16400xi32, #tpu.memory_space<vmem>>, %arg7: memref<16400xi32, #tpu.memory_space<vmem>>, %arg8: memref<16400xi32, #tpu.memory_space<vmem>>, %arg9: memref<78xi32, #tpu.memory_space<vmem>>, %arg10: memref<64x512xf32, #tpu.memory_space<vmem>>, %arg11: memref<64x512xf32, #tpu.memory_space<vmem>>, %arg12: memref<4096xf32, #tpu.memory_space<vmem>>, %arg13: memref<64x64xf32, #tpu.memory_space<vmem>>, %arg14: memref<!tpu.dma_semaphore, #tpu.memory_space<semaphore_mem>>, %arg15: memref<!tpu.dma_semaphore, #tpu.memory_space<semaphore_mem>>, %arg16: memref<!tpu.dma_semaphore, #tpu.memory_space<semaphore_mem>>) attributes {dimension_semantics = [#tpu.dimension_semantics<core_parallel>, #tpu.dimension_semantics<subcore_parallel>], iteration_bounds = array<i64: 2, 16>, scalar_prefetch = 0 : i64, scratch_operands = 11 : i64, tpu.core_type = #tpu.core_type<sc_vector_subcore>, window_params = [{transform_indices = #map}, {transform_indices = #map1}, {transform_indices = #map1}, {transform_indices = #map}]} {
    %mul3A = arith.constant 2 : i32
    %mul3A_0 = arith.muli %arg1, %mul3A : i32
    %add3A = arith.addi %mul3A_0, %arg0 : i32
    %mul3A_1 = arith.constant 31360 : i32
    %mul3A_2 = arith.muli %add3A, %mul3A_1 : i32
    %add3A_3 = arith.constant 31360 : i32
    %add3A_4 = arith.addi %mul3A_2, %add3A_3 : i32
    %mul3A_5 = arith.constant 245 : i32
    %mul3A_6 = arith.muli %add3A, %mul3A_5 : i32
    %add3A_7 = arith.constant 0 : i32
    %add3A_8 = arith.addi %mul3A_6, %add3A_7 : i32
    %min3A = arith.constant 7808 : i32
    %min3A_9 = arith.minsi %add3A_8, %min3A : i32
    %mul3A_10 = arith.constant 128 : i32
    %mul3A_11 = arith.muli %min3A_9, %mul3A_10 : i32
    %multiple_of3A = tpu.assume_multiple %mul3A_11, 128 : i32
    %dma_start3A = arith.constant 0 : i32
    %dma_start3A_12 = arith.constant 0 : i32
    %dma_start3A_13 = tpu.memref_slice %arg10[%dma_start3A, %dma_start3A_12] : memref<64x512xf32, #tpu.memory_space<vmem>> -> memref<8x512xf32, #tpu.memory_space<vmem>>
    %dma_start3A_14 = arith.constant 0 : i32
    %dma_start3A_15 = tpu.memref_slice %arg2[%dma_start3A_14, %multiple_of3A] : memref<64x1000000xf32, #tpu.memory_space<hbm>> -> memref<8x512xf32, #tpu.memory_space<hbm>>
    %dma_start3A_16 = arith.constant 0 : i32
    %dma_start3A_17 = arith.constant 0 : i32
    %dma_start3A_18 = tpu.memref_slice %arg10[%dma_start3A_16, %dma_start3A_17] : memref<64x512xf32, #tpu.memory_space<vmem>> -> memref<8x512xf32, #tpu.memory_space<vmem>>
    %dma_start3A_19 = arith.constant 0 : i32
    %dma_start3A_20 = tpu.memref_slice %arg2[%dma_start3A_19, %multiple_of3A] : memref<64x1000000xf32, #tpu.memory_space<hbm>> -> memref<8x512xf32, #tpu.memory_space<hbm>>
    tpu.enqueue_dma source(%dma_start3A_20 : memref<8x512xf32, #tpu.memory_space<hbm>>) target(%dma_start3A_18 : memref<8x512xf32, #tpu.memory_space<vmem>>) target_semaphore(%arg14 : memref<!tpu.dma_semaphore, #tpu.memory_space<semaphore_mem>>)
    %dma_start3A_21 = arith.constant 8 : i32
    %dma_start3A_22 = arith.constant 0 : i32
    %dma_start3A_23 = tpu.memref_slice %arg10[%dma_start3A_21, %dma_start3A_22] : memref<64x512xf32, #tpu.memory_space<vmem>> -> memref<8x512xf32, #tpu.memory_space<vmem>>
    %dma_start3A_24 = arith.constant 8 : i32
    %dma_start3A_25 = tpu.memref_slice %arg2[%dma_start3A_24, %multiple_of3A] : memref<64x1000000xf32, #tpu.memory_space<hbm>> -> memref<8x512xf32, #tpu.memory_space<hbm>>
    %dma_start3A_26 = arith.constant 8 : i32
    %dma_start3A_27 = arith.constant 0 : i32
    %dma_start3A_28 = tpu.memref_slice %arg10[%dma_start3A_26, %dma_start3A_27] : memref<64x512xf32, #tpu.memory_space<vmem>> -> memref<8x512xf32, #tpu.memory_space<vmem>>
    %dma_start3A_29 = arith.constant 8 : i32
    %dma_start3A_30 = tpu.memref_slice %arg2[%dma_start3A_29, %multiple_of3A] : memref<64x1000000xf32, #tpu.memory_space<hbm>> -> memref<8x512xf32, #tpu.memory_space<hbm>>
    tpu.enqueue_dma source(%dma_start3A_30 : memref<8x512xf32, #tpu.memory_space<hbm>>) target(%dma_start3A_28 : memref<8x512xf32, #tpu.memory_space<vmem>>) target_semaphore(%arg14 : memref<!tpu.dma_semaphore, #tpu.memory_space<semaphore_mem>>)
    %dma_start3A_31 = arith.constant 16 : i32
    %dma_start3A_32 = arith.constant 0 : i32
    %dma_start3A_33 = tpu.memref_slice %arg10[%dma_start3A_31, %dma_start3A_32] : memref<64x512xf32, #tpu.memory_space<vmem>> -> memref<8x512xf32, #tpu.memory_space<vmem>>
    %dma_start3A_34 = arith.constant 16 : i32
    %dma_start3A_35 = tpu.memref_slice %arg2[%dma_start3A_34, %multiple_of3A] : memref<64x1000000xf32, #tpu.memory_space<hbm>> -> memref<8x512xf32, #tpu.memory_space<hbm>>
    %dma_start3A_36 = arith.constant 16 : i32
    %dma_start3A_37 = arith.constant 0 : i32
    %dma_start3A_38 = tpu.memref_slice %arg10[%dma_start3A_36, %dma_start3A_37] : memref<64x512xf32, #tpu.memory_space<vmem>> -> memref<8x512xf32, #tpu.memory_space<vmem>>
    %dma_start3A_39 = arith.constant 16 : i32
    %dma_start3A_40 = tpu.memref_slice %arg2[%dma_start3A_39, %multiple_of3A] : memref<64x1000000xf32, #tpu.memory_space<hbm>> -> memref<8x512xf32, #tpu.memory_space<hbm>>
    tpu.enqueue_dma source(%dma_start3A_40 : memref<8x512xf32, #tpu.memory_space<hbm>>) target(%dma_start3A_38 : memref<8x512xf32, #tpu.memory_space<vmem>>) target_semaphore(%arg14 : memref<!tpu.dma_semaphore, #tpu.memory_space<semaphore_mem>>)
    %dma_start3A_41 = arith.constant 24 : i32
    %dma_start3A_42 = arith.constant 0 : i32
    %dma_start3A_43 = tpu.memref_slice %arg10[%dma_start3A_41, %dma_start3A_42] : memref<64x512xf32, #tpu.memory_space<vmem>> -> memref<8x512xf32, #tpu.memory_space<vmem>>
    %dma_start3A_44 = arith.constant 24 : i32
    %dma_start3A_45 = tpu.memref_slice %arg2[%dma_start3A_44, %multiple_of3A] : memref<64x1000000xf32, #tpu.memory_space<hbm>> -> memref<8x512xf32, #tpu.memory_space<hbm>>
    %dma_start3A_46 = arith.constant 24 : i32
    %dma_start3A_47 = arith.constant 0 : i32
    %dma_start3A_48 = tpu.memref_slice %arg10[%dma_start3A_46, %dma_start3A_47] : memref<64x512xf32, #tpu.memory_space<vmem>> -> memref<8x512xf32, #tpu.memory_space<vmem>>
    %dma_start3A_49 = arith.constant 24 : i32
    %dma_start3A_50 = tpu.memref_slice %arg2[%dma_start3A_49, %multiple_of3A] : memref<64x1000000xf32, #tpu.memory_space<hbm>> -> memref<8x512xf32, #tpu.memory_space<hbm>>
    tpu.enqueue_dma source(%dma_start3A_50 : memref<8x512xf32, #tpu.memory_space<hbm>>) target(%dma_start3A_48 : memref<8x512xf32, #tpu.memory_space<vmem>>) target_semaphore(%arg14 : memref<!tpu.dma_semaphore, #tpu.memory_space<semaphore_mem>>)
    %dma_start3A_51 = arith.constant 32 : i32
    %dma_start3A_52 = arith.constant 0 : i32
    %dma_start3A_53 = tpu.memref_slice %arg10[%dma_start3A_51, %dma_start3A_52] : memref<64x512xf32, #tpu.memory_space<vmem>> -> memref<8x512xf32, #tpu.memory_space<vmem>>
    %dma_start3A_54 = arith.constant 32 : i32
    %dma_start3A_55 = tpu.memref_slice %arg2[%dma_start3A_54, %multiple_of3A] : memref<64x1000000xf32, #tpu.memory_space<hbm>> -> memref<8x512xf32, #tpu.memory_space<hbm>>
    %dma_start3A_56 = arith.constant 32 : i32
    %dma_start3A_57 = arith.constant 0 : i32
    %dma_start3A_58 = tpu.memref_slice %arg10[%dma_start3A_56, %dma_start3A_57] : memref<64x512xf32, #tpu.memory_space<vmem>> -> memref<8x512xf32, #tpu.memory_space<vmem>>
    %dma_start3A_59 = arith.constant 32 : i32
    %dma_start3A_60 = tpu.memref_slice %arg2[%dma_start3A_59, %multiple_of3A] : memref<64x1000000xf32, #tpu.memory_space<hbm>> -> memref<8x512xf32, #tpu.memory_space<hbm>>
    tpu.enqueue_dma source(%dma_start3A_60 : memref<8x512xf32, #tpu.memory_space<hbm>>) target(%dma_start3A_58 : memref<8x512xf32, #tpu.memory_space<vmem>>) target_semaphore(%arg14 : memref<!tpu.dma_semaphore, #tpu.memory_space<semaphore_mem>>)
    %dma_start3A_61 = arith.constant 40 : i32
    %dma_start3A_62 = arith.constant 0 : i32
    %dma_start3A_63 = tpu.memref_slice %arg10[%dma_start3A_61, %dma_start3A_62] : memref<64x512xf32, #tpu.memory_space<vmem>> -> memref<8x512xf32, #tpu.memory_space<vmem>>
    %dma_start3A_64 = arith.constant 40 : i32
    %dma_start3A_65 = tpu.memref_slice %arg2[%dma_start3A_64, %multiple_of3A] : memref<64x1000000xf32, #tpu.memory_space<hbm>> -> memref<8x512xf32, #tpu.memory_space<hbm>>
    %dma_start3A_66 = arith.constant 40 : i32
    %dma_start3A_67 = arith.constant 0 : i32
    %dma_start3A_68 = tpu.memref_slice %arg10[%dma_start3A_66, %dma_start3A_67] : memref<64x512xf32, #tpu.memory_space<vmem>> -> memref<8x512xf32, #tpu.memory_space<vmem>>
    %dma_start3A_69 = arith.constant 40 : i32
    %dma_start3A_70 = tpu.memref_slice %arg2[%dma_start3A_69, %multiple_of3A] : memref<64x1000000xf32, #tpu.memory_space<hbm>> -> memref<8x512xf32, #tpu.memory_space<hbm>>
    tpu.enqueue_dma source(%dma_start3A_70 : memref<8x512xf32, #tpu.memory_space<hbm>>) target(%dma_start3A_68 : memref<8x512xf32, #tpu.memory_space<vmem>>) target_semaphore(%arg14 : memref<!tpu.dma_semaphore, #tpu.memory_space<semaphore_mem>>)
    %dma_start3A_71 = arith.constant 48 : i32
    %dma_start3A_72 = arith.constant 0 : i32
    %dma_start3A_73 = tpu.memref_slice %arg10[%dma_start3A_71, %dma_start3A_72] : memref<64x512xf32, #tpu.memory_space<vmem>> -> memref<8x512xf32, #tpu.memory_space<vmem>>
    %dma_start3A_74 = arith.constant 48 : i32
    %dma_start3A_75 = tpu.memref_slice %arg2[%dma_start3A_74, %multiple_of3A] : memref<64x1000000xf32, #tpu.memory_space<hbm>> -> memref<8x512xf32, #tpu.memory_space<hbm>>
    %dma_start3A_76 = arith.constant 48 : i32
    %dma_start3A_77 = arith.constant 0 : i32
    %dma_start3A_78 = tpu.memref_slice %arg10[%dma_start3A_76, %dma_start3A_77] : memref<64x512xf32, #tpu.memory_space<vmem>> -> memref<8x512xf32, #tpu.memory_space<vmem>>
    %dma_start3A_79 = arith.constant 48 : i32
    %dma_start3A_80 = tpu.memref_slice %arg2[%dma_start3A_79, %multiple_of3A] : memref<64x1000000xf32, #tpu.memory_space<hbm>> -> memref<8x512xf32, #tpu.memory_space<hbm>>
    tpu.enqueue_dma source(%dma_start3A_80 : memref<8x512xf32, #tpu.memory_space<hbm>>) target(%dma_start3A_78 : memref<8x512xf32, #tpu.memory_space<vmem>>) target_semaphore(%arg14 : memref<!tpu.dma_semaphore, #tpu.memory_space<semaphore_mem>>)
    %dma_start3A_81 = arith.constant 56 : i32
    %dma_start3A_82 = arith.constant 0 : i32
    %dma_start3A_83 = tpu.memref_slice %arg10[%dma_start3A_81, %dma_start3A_82] : memref<64x512xf32, #tpu.memory_space<vmem>> -> memref<8x512xf32, #tpu.memory_space<vmem>>
    %dma_start3A_84 = arith.constant 56 : i32
    %dma_start3A_85 = tpu.memref_slice %arg2[%dma_start3A_84, %multiple_of3A] : memref<64x1000000xf32, #tpu.memory_space<hbm>> -> memref<8x512xf32, #tpu.memory_space<hbm>>
    %dma_start3A_86 = arith.constant 56 : i32
    %dma_start3A_87 = arith.constant 0 : i32
    %dma_start3A_88 = tpu.memref_slice %arg10[%dma_start3A_86, %dma_start3A_87] : memref<64x512xf32, #tpu.memory_space<vmem>> -> memref<8x512xf32, #tpu.memory_space<vmem>>
    %dma_start3A_89 = arith.constant 56 : i32
    %dma_start3A_90 = tpu.memref_slice %arg2[%dma_start3A_89, %multiple_of3A] : memref<64x1000000xf32, #tpu.memory_space<hbm>> -> memref<8x512xf32, #tpu.memory_space<hbm>>
    tpu.enqueue_dma source(%dma_start3A_90 : memref<8x512xf32, #tpu.memory_space<hbm>>) target(%dma_start3A_88 : memref<8x512xf32, #tpu.memory_space<vmem>>) target_semaphore(%arg14 : memref<!tpu.dma_semaphore, #tpu.memory_space<semaphore_mem>>)
    %mul3A_91 = arith.constant 245 : i32
    %mul3A_92 = arith.muli %add3A, %mul3A_91 : i32
    %add3A_93 = arith.constant 4 : i32
    %add3A_94 = arith.addi %mul3A_92, %add3A_93 : i32
    %min3A_95 = arith.constant 7808 : i32
    %min3A_96 = arith.minsi %add3A_94, %min3A_95 : i32
    %mul3A_97 = arith.constant 128 : i32
    %mul3A_98 = arith.muli %min3A_96, %mul3A_97 : i32
    %multiple_of3A_99 = tpu.assume_multiple %mul3A_98, 128 : i32
    %dma_start3A_100 = arith.constant 0 : i32
    %dma_start3A_101 = arith.constant 0 : i32
    %dma_start3A_102 = tpu.memref_slice %arg11[%dma_start3A_100, %dma_start3A_101] : memref<64x512xf32, #tpu.memory_space<vmem>> -> memref<8x512xf32, #tpu.memory_space<vmem>>
    %dma_start3A_103 = arith.constant 0 : i32
    %dma_start3A_104 = tpu.memref_slice %arg2[%dma_start3A_103, %multiple_of3A_99] : memref<64x1000000xf32, #tpu.memory_space<hbm>> -> memref<8x512xf32, #tpu.memory_space<hbm>>
    %dma_start3A_105 = arith.constant 0 : i32
    %dma_start3A_106 = arith.constant 0 : i32
    %dma_start3A_107 = tpu.memref_slice %arg11[%dma_start3A_105, %dma_start3A_106] : memref<64x512xf32, #tpu.memory_space<vmem>> -> memref<8x512xf32, #tpu.memory_space<vmem>>
    %dma_start3A_108 = arith.constant 0 : i32
    %dma_start3A_109 = tpu.memref_slice %arg2[%dma_start3A_108, %multiple_of3A_99] : memref<64x1000000xf32, #tpu.memory_space<hbm>> -> memref<8x512xf32, #tpu.memory_space<hbm>>
    tpu.enqueue_dma source(%dma_start3A_109 : memref<8x512xf32, #tpu.memory_space<hbm>>) target(%dma_start3A_107 : memref<8x512xf32, #tpu.memory_space<vmem>>) target_semaphore(%arg15 : memref<!tpu.dma_semaphore, #tpu.memory_space<semaphore_mem>>)
    %dma_start3A_110 = arith.constant 8 : i32
    %dma_start3A_111 = arith.constant 0 : i32
    %dma_start3A_112 = tpu.memref_slice %arg11[%dma_start3A_110, %dma_start3A_111] : memref<64x512xf32, #tpu.memory_space<vmem>> -> memref<8x512xf32, #tpu.memory_space<vmem>>
    %dma_start3A_113 = arith.constant 8 : i32
    %dma_start3A_114 = tpu.memref_slice %arg2[%dma_start3A_113, %multiple_of3A_99] : memref<64x1000000xf32, #tpu.memory_space<hbm>> -> memref<8x512xf32, #tpu.memory_space<hbm>>
    %dma_start3A_115 = arith.constant 8 : i32
    %dma_start3A_116 = arith.constant 0 : i32
    %dma_start3A_117 = tpu.memref_slice %arg11[%dma_start3A_115, %dma_start3A_116] : memref<64x512xf32, #tpu.memory_space<vmem>> -> memref<8x512xf32, #tpu.memory_space<vmem>>
    %dma_start3A_118 = arith.constant 8 : i32
    %dma_start3A_119 = tpu.memref_slice %arg2[%dma_start3A_118, %multiple_of3A_99] : memref<64x1000000xf32, #tpu.memory_space<hbm>> -> memref<8x512xf32, #tpu.memory_space<hbm>>
    tpu.enqueue_dma source(%dma_start3A_119 : memref<8x512xf32, #tpu.memory_space<hbm>>) target(%dma_start3A_117 : memref<8x512xf32, #tpu.memory_space<vmem>>) target_semaphore(%arg15 : memref<!tpu.dma_semaphore, #tpu.memory_space<semaphore_mem>>)
    %dma_start3A_120 = arith.constant 16 : i32
    %dma_start3A_121 = arith.constant 0 : i32
    %dma_start3A_122 = tpu.memref_slice %arg11[%dma_start3A_120, %dma_start3A_121] : memref<64x512xf32, #tpu.memory_space<vmem>> -> memref<8x512xf32, #tpu.memory_space<vmem>>
    %dma_start3A_123 = arith.constant 16 : i32
    %dma_start3A_124 = tpu.memref_slice %arg2[%dma_start3A_123, %multiple_of3A_99] : memref<64x1000000xf32, #tpu.memory_space<hbm>> -> memref<8x512xf32, #tpu.memory_space<hbm>>
    %dma_start3A_125 = arith.constant 16 : i32
    %dma_start3A_126 = arith.constant 0 : i32
    %dma_start3A_127 = tpu.memref_slice %arg11[%dma_start3A_125, %dma_start3A_126] : memref<64x512xf32, #tpu.memory_space<vmem>> -> memref<8x512xf32, #tpu.memory_space<vmem>>
    %dma_start3A_128 = arith.constant 16 : i32
    %dma_start3A_129 = tpu.memref_slice %arg2[%dma_start3A_128, %multiple_of3A_99] : memref<64x1000000xf32, #tpu.memory_space<hbm>> -> memref<8x512xf32, #tpu.memory_space<hbm>>
    tpu.enqueue_dma source(%dma_start3A_129 : memref<8x512xf32, #tpu.memory_space<hbm>>) target(%dma_start3A_127 : memref<8x512xf32, #tpu.memory_space<vmem>>) target_semaphore(%arg15 : memref<!tpu.dma_semaphore, #tpu.memory_space<semaphore_mem>>)
    %dma_start3A_130 = arith.constant 24 : i32
    %dma_start3A_131 = arith.constant 0 : i32
    %dma_start3A_132 = tpu.memref_slice %arg11[%dma_start3A_130, %dma_start3A_131] : memref<64x512xf32, #tpu.memory_space<vmem>> -> memref<8x512xf32, #tpu.memory_space<vmem>>
    %dma_start3A_133 = arith.constant 24 : i32
    %dma_start3A_134 = tpu.memref_slice %arg2[%dma_start3A_133, %multiple_of3A_99] : memref<64x1000000xf32, #tpu.memory_space<hbm>> -> memref<8x512xf32, #tpu.memory_space<hbm>>
    %dma_start3A_135 = arith.constant 24 : i32
    %dma_start3A_136 = arith.constant 0 : i32
    %dma_start3A_137 = tpu.memref_slice %arg11[%dma_start3A_135, %dma_start3A_136] : memref<64x512xf32, #tpu.memory_space<vmem>> -> memref<8x512xf32, #tpu.memory_space<vmem>>
    %dma_start3A_138 = arith.constant 24 : i32
    %dma_start3A_139 = tpu.memref_slice %arg2[%dma_start3A_138, %multiple_of3A_99] : memref<64x1000000xf32, #tpu.memory_space<hbm>> -> memref<8x512xf32, #tpu.memory_space<hbm>>
    tpu.enqueue_dma source(%dma_start3A_139 : memref<8x512xf32, #tpu.memory_space<hbm>>) target(%dma_start3A_137 : memref<8x512xf32, #tpu.memory_space<vmem>>) target_semaphore(%arg15 : memref<!tpu.dma_semaphore, #tpu.memory_space<semaphore_mem>>)
    %dma_start3A_140 = arith.constant 32 : i32
    %dma_start3A_141 = arith.constant 0 : i32
    %dma_start3A_142 = tpu.memref_slice %arg11[%dma_start3A_140, %dma_start3A_141] : memref<64x512xf32, #tpu.memory_space<vmem>> -> memref<8x512xf32, #tpu.memory_space<vmem>>
    %dma_start3A_143 = arith.constant 32 : i32
    %dma_start3A_144 = tpu.memref_slice %arg2[%dma_start3A_143, %multiple_of3A_99] : memref<64x1000000xf32, #tpu.memory_space<hbm>> -> memref<8x512xf32, #tpu.memory_space<hbm>>
    %dma_start3A_145 = arith.constant 32 : i32
    %dma_start3A_146 = arith.constant 0 : i32
    %dma_start3A_147 = tpu.memref_slice %arg11[%dma_start3A_145, %dma_start3A_146] : memref<64x512xf32, #tpu.memory_space<vmem>> -> memref<8x512xf32, #tpu.memory_space<vmem>>
    %dma_start3A_148 = arith.constant 32 : i32
    %dma_start3A_149 = tpu.memref_slice %arg2[%dma_start3A_148, %multiple_of3A_99] : memref<64x1000000xf32, #tpu.memory_space<hbm>> -> memref<8x512xf32, #tpu.memory_space<hbm>>
    tpu.enqueue_dma source(%dma_start3A_149 : memref<8x512xf32, #tpu.memory_space<hbm>>) target(%dma_start3A_147 : memref<8x512xf32, #tpu.memory_space<vmem>>) target_semaphore(%arg15 : memref<!tpu.dma_semaphore, #tpu.memory_space<semaphore_mem>>)
    %dma_start3A_150 = arith.constant 40 : i32
    %dma_start3A_151 = arith.constant 0 : i32
    %dma_start3A_152 = tpu.memref_slice %arg11[%dma_start3A_150, %dma_start3A_151] : memref<64x512xf32, #tpu.memory_space<vmem>> -> memref<8x512xf32, #tpu.memory_space<vmem>>
    %dma_start3A_153 = arith.constant 40 : i32
    %dma_start3A_154 = tpu.memref_slice %arg2[%dma_start3A_153, %multiple_of3A_99] : memref<64x1000000xf32, #tpu.memory_space<hbm>> -> memref<8x512xf32, #tpu.memory_space<hbm>>
    %dma_start3A_155 = arith.constant 40 : i32
    %dma_start3A_156 = arith.constant 0 : i32
    %dma_start3A_157 = tpu.memref_slice %arg11[%dma_start3A_155, %dma_start3A_156] : memref<64x512xf32, #tpu.memory_space<vmem>> -> memref<8x512xf32, #tpu.memory_space<vmem>>
    %dma_start3A_158 = arith.constant 40 : i32
    %dma_start3A_159 = tpu.memref_slice %arg2[%dma_start3A_158, %multiple_of3A_99] : memref<64x1000000xf32, #tpu.memory_space<hbm>> -> memref<8x512xf32, #tpu.memory_space<hbm>>
    tpu.enqueue_dma source(%dma_start3A_159 : memref<8x512xf32, #tpu.memory_space<hbm>>) target(%dma_start3A_157 : memref<8x512xf32, #tpu.memory_space<vmem>>) target_semaphore(%arg15 : memref<!tpu.dma_semaphore, #tpu.memory_space<semaphore_mem>>)
    %dma_start3A_160 = arith.constant 48 : i32
    %dma_start3A_161 = arith.constant 0 : i32
    %dma_start3A_162 = tpu.memref_slice %arg11[%dma_start3A_160, %dma_start3A_161] : memref<64x512xf32, #tpu.memory_space<vmem>> -> memref<8x512xf32, #tpu.memory_space<vmem>>
    %dma_start3A_163 = arith.constant 48 : i32
    %dma_start3A_164 = tpu.memref_slice %arg2[%dma_start3A_163, %multiple_of3A_99] : memref<64x1000000xf32, #tpu.memory_space<hbm>> -> memref<8x512xf32, #tpu.memory_space<hbm>>
    %dma_start3A_165 = arith.constant 48 : i32
    %dma_start3A_166 = arith.constant 0 : i32
    %dma_start3A_167 = tpu.memref_slice %arg11[%dma_start3A_165, %dma_start3A_166] : memref<64x512xf32, #tpu.memory_space<vmem>> -> memref<8x512xf32, #tpu.memory_space<vmem>>
    %dma_start3A_168 = arith.constant 48 : i32
    %dma_start3A_169 = tpu.memref_slice %arg2[%dma_start3A_168, %multiple_of3A_99] : memref<64x1000000xf32, #tpu.memory_space<hbm>> -> memref<8x512xf32, #tpu.memory_space<hbm>>
    tpu.enqueue_dma source(%dma_start3A_169 : memref<8x512xf32, #tpu.memory_space<hbm>>) target(%dma_start3A_167 : memref<8x512xf32, #tpu.memory_space<vmem>>) target_semaphore(%arg15 : memref<!tpu.dma_semaphore, #tpu.memory_space<semaphore_mem>>)
    %dma_start3A_170 = arith.constant 56 : i32
    %dma_start3A_171 = arith.constant 0 : i32
    %dma_start3A_172 = tpu.memref_slice %arg11[%dma_start3A_170, %dma_start3A_171] : memref<64x512xf32, #tpu.memory_space<vmem>> -> memref<8x512xf32, #tpu.memory_space<vmem>>
    %dma_start3A_173 = arith.constant 56 : i32
    %dma_start3A_174 = tpu.memref_slice %arg2[%dma_start3A_173, %multiple_of3A_99] : memref<64x1000000xf32, #tpu.memory_space<hbm>> -> memref<8x512xf32, #tpu.memory_space<hbm>>
    %dma_start3A_175 = arith.constant 56 : i32
    %dma_start3A_176 = arith.constant 0 : i32
    %dma_start3A_177 = tpu.memref_slice %arg11[%dma_start3A_175, %dma_start3A_176] : memref<64x512xf32, #tpu.memory_space<vmem>> -> memref<8x512xf32, #tpu.memory_space<vmem>>
    %dma_start3A_178 = arith.constant 56 : i32
    %dma_start3A_179 = tpu.memref_slice %arg2[%dma_start3A_178, %multiple_of3A_99] : memref<64x1000000xf32, #tpu.memory_space<hbm>> -> memref<8x512xf32, #tpu.memory_space<hbm>>
    tpu.enqueue_dma source(%dma_start3A_179 : memref<8x512xf32, #tpu.memory_space<hbm>>) target(%dma_start3A_177 : memref<8x512xf32, #tpu.memory_space<vmem>>) target_semaphore(%arg15 : memref<!tpu.dma_semaphore, #tpu.memory_space<semaphore_mem>>)
    "tpu.region"() ({
      %run_scoped3A = tpu.sem_alloc : memref<!tpu.dma_semaphore, #tpu.memory_space<semaphore_mem>>
      %dma_start3A_288 = arith.constant 0 : i32
      %dma_start3A_289 = tpu.memref_slice %arg6[%dma_start3A_288] : memref<16400xi32, #tpu.memory_space<vmem>> -> memref<16384xi32, #tpu.memory_space<vmem>>
      %dma_start3A_290 = arith.constant 0 : i32
      %dma_start3A_291 = tpu.memref_slice %arg6[%dma_start3A_290] : memref<16400xi32, #tpu.memory_space<vmem>> -> memref<16384xi32, #tpu.memory_space<vmem>>
      tpu.enqueue_dma source(%arg3 : memref<16384xi32, #tpu.memory_space<hbm>>) target(%dma_start3A_291 : memref<16384xi32, #tpu.memory_space<vmem>>) target_semaphore(%run_scoped3A : memref<!tpu.dma_semaphore, #tpu.memory_space<semaphore_mem>>)
      %dma_wait3A_292 = arith.constant 0 : i32
      %dma_wait3A_293 = tpu.memref_slice %arg6[%dma_wait3A_292] : memref<16400xi32, #tpu.memory_space<vmem>> -> memref<16384xi32, #tpu.memory_space<vmem>>
      %dma_wait3A_294 = arith.constant 0 : i32
      %dma_wait3A_295 = tpu.memref_slice %arg6[%dma_wait3A_294] : memref<16400xi32, #tpu.memory_space<vmem>> -> memref<16384xi32, #tpu.memory_space<vmem>>
      tpu.wait_dma2 semaphore(%run_scoped3A : memref<!tpu.dma_semaphore, #tpu.memory_space<semaphore_mem>>) src(%arg3 : memref<16384xi32, #tpu.memory_space<hbm>>) dst(%dma_wait3A_295 : memref<16384xi32, #tpu.memory_space<vmem>>)
      tpu.yield
    }) : () -> ()
    %iota3A = tpu.iota {dimensions = array<i32: 0>} : vector<16xi32>
    %eq3A = arith.constant 0 : i32
    %eq3A_180 = vector.broadcast %eq3A : i32 to vector<16xi32>
    %eq3A_181 = arith.cmpi eq, %iota3A, %eq3A_180 : vector<16xi32>
    "tpu.region"() ({
      %run_scoped3A = tpu.sem_alloc : memref<!tpu.dma_semaphore, #tpu.memory_space<semaphore_mem>>
      tpu.enqueue_dma source(%arg4 : memref<4096xf32, #tpu.memory_space<hbm>>) target(%arg12 : memref<4096xf32, #tpu.memory_space<vmem>>) target_semaphore(%run_scoped3A : memref<!tpu.dma_semaphore, #tpu.memory_space<semaphore_mem>>)
      tpu.wait_dma2 semaphore(%run_scoped3A : memref<!tpu.dma_semaphore, #tpu.memory_space<semaphore_mem>>) src(%arg4 : memref<4096xf32, #tpu.memory_space<hbm>>) dst(%arg12 : memref<4096xf32, #tpu.memory_space<vmem>>)
      tpu.yield
    }) : () -> ()
    %scan3A = arith.constant 0 : i32
    %scan3A_182 = arith.constant 0 : i32
    %scan3A_183 = arith.constant 1024 : i32
    %scan3A_184 = arith.addi %scan3A_182, %scan3A_183 : i32
    %scan3A_185 = arith.constant 1 : i32
    %scan3A_186 = scf.for %scan3A_288 = %scan3A_182 to %scan3A_184 step %scan3A_185 iter_args(%scan3A_289 = %scan3A) -> (i32)  : i32 {
      %mul3A_290 = arith.constant 16 : i32
      %mul3A_291 = arith.muli %scan3A_288, %mul3A_290 : i32
      %get3A_292 = arith.index_cast %mul3A_291 : i32 to index
      %get3A_293 = tpu.vector_load %arg6[%get3A_292] {strides = array<i32>} : memref<16400xi32, #tpu.memory_space<vmem>>, vector<16xi32>,
      %iota3A_294 = tpu.iota {dimensions = array<i32: 0>} : vector<16xi32>
      %mul3A_295 = arith.constant 16 : i32
      %mul3A_296 = arith.muli %scan3A_288, %mul3A_295 : i32
      %add3A_297 = vector.broadcast %mul3A_296 : i32 to vector<16xi32>
      %add3A_298 = arith.addi %iota3A_294, %add3A_297 : vector<16xi32>
      %ge3A = vector.broadcast %mul3A_2 : i32 to vector<16xi32>
      %ge3A_299 = arith.cmpi sge, %get3A_293, %ge3A : vector<16xi32>
      %lt3A = vector.broadcast %add3A_4 : i32 to vector<16xi32>
      %lt3A_300 = arith.cmpi slt, %get3A_293, %lt3A : vector<16xi32>
      %and3A = arith.andi %ge3A_299, %lt3A_300 : vector<16xi1>
      %all_reduce_population_count3A = tpu.all_reduce %and3A {dim = 0 : i64, kind = #tpu.reduction_kind<sum>} : vector<16xi1> -> vector<16xi32>
      %slice3A_301 = vector.extract_strided_slice %all_reduce_population_count3A {offsets = [0], sizes = [1], strides = [1]} : vector<16xi32> to vector<1xi32>
      %squeeze3A_302 = vector.extract %slice3A_301[0] : i32 from vector<1xi32>
      %swap3A_303 = arith.index_cast %scan3A_289 : i32 to index
      %swap3A_304 = tpu.vector_load %arg7[%swap3A_303] masked %and3A {strides = array<i32>} : memref<16400xi32, #tpu.memory_space<vmem>>, vector<16xi32>, vector<16xi1>
      tpu.vector_store %arg7[%swap3A_303], %add3A_298 masked %and3A {strides = array<i32>} : memref<16400xi32, #tpu.memory_space<vmem>>, vector<16xi32>, vector<16xi1>
      %add3A_305 = arith.addi %scan3A_289, %squeeze3A_302 : i32
      scf.yield %add3A_305 : i32
    }
    %scan3A_187 = arith.constant 1024 : i32
    %broadcast_in_dim3A = arith.constant 0 : i32
    %broadcast_in_dim3A_188 = vector.broadcast %broadcast_in_dim3A : i32 to vector<16xi32>
    %swap3A = arith.constant 0 : index
    %swap3A_189 = tpu.vector_load %arg9[%swap3A] {strides = array<i32>} : memref<78xi32, #tpu.memory_space<vmem>>, vector<16xi32>,
    tpu.vector_store %arg9[%swap3A], %broadcast_in_dim3A_188 {strides = array<i32>} : memref<78xi32, #tpu.memory_space<vmem>>, vector<16xi32>,
    %broadcast_in_dim3A_190 = arith.constant 0 : i32
    %broadcast_in_dim3A_191 = vector.broadcast %broadcast_in_dim3A_190 : i32 to vector<16xi32>
    %swap3A_192 = arith.constant 16 : index
    %swap3A_193 = tpu.vector_load %arg9[%swap3A_192] {strides = array<i32>} : memref<78xi32, #tpu.memory_space<vmem>>, vector<16xi32>,
    tpu.vector_store %arg9[%swap3A_192], %broadcast_in_dim3A_191 {strides = array<i32>} : memref<78xi32, #tpu.memory_space<vmem>>, vector<16xi32>,
    %broadcast_in_dim3A_194 = arith.constant 0 : i32
    %broadcast_in_dim3A_195 = vector.broadcast %broadcast_in_dim3A_194 : i32 to vector<16xi32>
    %swap3A_196 = arith.constant 32 : index
    %swap3A_197 = tpu.vector_load %arg9[%swap3A_196] {strides = array<i32>} : memref<78xi32, #tpu.memory_space<vmem>>, vector<16xi32>,
    tpu.vector_store %arg9[%swap3A_196], %broadcast_in_dim3A_195 {strides = array<i32>} : memref<78xi32, #tpu.memory_space<vmem>>, vector<16xi32>,
    %broadcast_in_dim3A_198 = arith.constant 0 : i32
    %broadcast_in_dim3A_199 = vector.broadcast %broadcast_in_dim3A_198 : i32 to vector<16xi32>
    %swap3A_200 = arith.constant 48 : index
    %swap3A_201 = tpu.vector_load %arg9[%swap3A_200] {strides = array<i32>} : memref<78xi32, #tpu.memory_space<vmem>>, vector<16xi32>,
    tpu.vector_store %arg9[%swap3A_200], %broadcast_in_dim3A_199 {strides = array<i32>} : memref<78xi32, #tpu.memory_space<vmem>>, vector<16xi32>,
    %while3A = arith.constant 0 : i32
    %while3A_202 = arith.constant 0 : i32
    %while3A_203 = arith.subi %scan3A_186, %while3A_202 : i32
    %while3A_204 = arith.addi %while3A_202, %while3A_203 : i32
    %while3A_205 = arith.constant 1 : i32
    %while3A_206 = arith.divsi %while3A_203, %while3A_205 : i32
    %while3A_207 = arith.muli %while3A_206, %while3A_205 : i32
    %while3A_208 = arith.addi %while3A_202, %while3A_207 : i32
    %while3A_209 = arith.constant 1 : i32
    scf.for %while3A_288 = %while3A_202 to %while3A_208 step %while3A_209  : i32 {
      %get3A_289 = arith.index_cast %while3A_288 : i32 to index
      %get3A_290 = tpu.vector_load %arg7[%get3A_289] {strides = array<i32>} : memref<16400xi32, #tpu.memory_space<vmem>>, vector<16xi32>,
      %slice3A_291 = vector.extract_strided_slice %get3A_290 {offsets = [0], sizes = [1], strides = [1]} : vector<16xi32> to vector<1xi32>
      %squeeze3A_292 = vector.extract %slice3A_291[0] : i32 from vector<1xi32>
      %get3A_293 = arith.index_cast %squeeze3A_292 : i32 to index
      %get3A_294 = tpu.vector_load %arg6[%get3A_293] {strides = array<i32>} : memref<16400xi32, #tpu.memory_space<vmem>>, vector<16xi32>,
      %slice3A_295 = vector.extract_strided_slice %get3A_294 {offsets = [0], sizes = [1], strides = [1]} : vector<16xi32> to vector<1xi32>
      %squeeze3A_296 = vector.extract %slice3A_295[0] : i32 from vector<1xi32>
      %ge3A = arith.constant 999936 : i32
      %ge3A_297 = arith.cmpi sge, %squeeze3A_296, %ge3A : i32
      %sub3A = arith.subi %squeeze3A_296, %mul3A_2 : i32
      %shift_right_arithmetic3A = arith.constant 9 : i32
      %shift_right_arithmetic3A_298 = arith.shrsi %sub3A, %shift_right_arithmetic3A : i32
      %jit3A_299 = arith.constant 62 : i32
      %select_n3A_300 = arith.select %ge3A_297, %jit3A_299, %shift_right_arithmetic3A_298 : i32
      %get3A_301 = arith.index_cast %select_n3A_300 : i32 to index
      %get3A_302 = tpu.vector_load %arg9[%get3A_301] {strides = array<i32>} : memref<78xi32, #tpu.memory_space<vmem>>, vector<16xi32>,
      %slice3A_303 = vector.extract_strided_slice %get3A_302 {offsets = [0], sizes = [1], strides = [1]} : vector<16xi32> to vector<1xi32>
      %squeeze3A_304 = vector.extract %slice3A_303[0] : i32 from vector<1xi32>
      %add3A_305 = arith.constant 1 : i32
      %add3A_306 = arith.addi %squeeze3A_304, %add3A_305 : i32
      %broadcast_in_dim3A_307 = vector.broadcast %select_n3A_300 : i32 to vector<16xi32>
      %broadcast_in_dim3A_308 = vector.broadcast %add3A_306 : i32 to vector<16xi32>
      tpu.vector_store_idx %arg9[%broadcast_in_dim3A_307], %broadcast_in_dim3A_308 masked %eq3A_181 : memref<78xi32, #tpu.memory_space<vmem>>[vector<16xi32>], vector<16xi32>, vector<16xi1>
    }
    %while3A_210 = arith.constant 1 : i32
    scf.for %while3A_288 = %while3A_208 to %while3A_204 step %while3A_210  : i32 {
      %get3A_289 = arith.index_cast %while3A_288 : i32 to index
      %get3A_290 = tpu.vector_load %arg7[%get3A_289] {strides = array<i32>} : memref<16400xi32, #tpu.memory_space<vmem>>, vector<16xi32>,
      %slice3A_291 = vector.extract_strided_slice %get3A_290 {offsets = [0], sizes = [1], strides = [1]} : vector<16xi32> to vector<1xi32>
      %squeeze3A_292 = vector.extract %slice3A_291[0] : i32 from vector<1xi32>
      %get3A_293 = arith.index_cast %squeeze3A_292 : i32 to index
      %get3A_294 = tpu.vector_load %arg6[%get3A_293] {strides = array<i32>} : memref<16400xi32, #tpu.memory_space<vmem>>, vector<16xi32>,
      %slice3A_295 = vector.extract_strided_slice %get3A_294 {offsets = [0], sizes = [1], strides = [1]} : vector<16xi32> to vector<1xi32>
      %squeeze3A_296 = vector.extract %slice3A_295[0] : i32 from vector<1xi32>
      %ge3A = arith.constant 999936 : i32
      %ge3A_297 = arith.cmpi sge, %squeeze3A_296, %ge3A : i32
      %sub3A = arith.subi %squeeze3A_296, %mul3A_2 : i32
      %shift_right_arithmetic3A = arith.constant 9 : i32
      %shift_right_arithmetic3A_298 = arith.shrsi %sub3A, %shift_right_arithmetic3A : i32
      %jit3A_299 = arith.constant 62 : i32
      %select_n3A_300 = arith.select %ge3A_297, %jit3A_299, %shift_right_arithmetic3A_298 : i32
      %get3A_301 = arith.index_cast %select_n3A_300 : i32 to index
      %get3A_302 = tpu.vector_load %arg9[%get3A_301] {strides = array<i32>} : memref<78xi32, #tpu.memory_space<vmem>>, vector<16xi32>,
      %slice3A_303 = vector.extract_strided_slice %get3A_302 {offsets = [0], sizes = [1], strides = [1]} : vector<16xi32> to vector<1xi32>
      %squeeze3A_304 = vector.extract %slice3A_303[0] : i32 from vector<1xi32>
      %add3A_305 = arith.constant 1 : i32
      %add3A_306 = arith.addi %squeeze3A_304, %add3A_305 : i32
      %broadcast_in_dim3A_307 = vector.broadcast %select_n3A_300 : i32 to vector<16xi32>
      %broadcast_in_dim3A_308 = vector.broadcast %add3A_306 : i32 to vector<16xi32>
      tpu.vector_store_idx %arg9[%broadcast_in_dim3A_307], %broadcast_in_dim3A_308 masked %eq3A_181 : memref<78xi32, #tpu.memory_space<vmem>>[vector<16xi32>], vector<16xi32>, vector<16xi1>
    }
    %scan3A_211 = arith.constant 0 : i32
    %scan3A_212 = arith.constant 0 : i32
    %scan3A_213 = arith.constant 63 : i32
    %scan3A_214 = arith.addi %scan3A_212, %scan3A_213 : i32
    %scan3A_215 = arith.constant 1 : i32
    %scan3A_216 = scf.for %scan3A_288 = %scan3A_212 to %scan3A_214 step %scan3A_215 iter_args(%scan3A_289 = %scan3A_211) -> (i32)  : i32 {
      %get3A_290 = arith.index_cast %scan3A_288 : i32 to index
      %get3A_291 = tpu.vector_load %arg9[%get3A_290] {strides = array<i32>} : memref<78xi32, #tpu.memory_space<vmem>>, vector<16xi32>,
      %slice3A_292 = vector.extract_strided_slice %get3A_291 {offsets = [0], sizes = [1], strides = [1]} : vector<16xi32> to vector<1xi32>
      %squeeze3A_293 = vector.extract %slice3A_292[0] : i32 from vector<1xi32>
      %broadcast_in_dim3A_294 = vector.broadcast %scan3A_288 : i32 to vector<16xi32>
      %broadcast_in_dim3A_295 = vector.broadcast %scan3A_289 : i32 to vector<16xi32>
      tpu.vector_store_idx %arg9[%broadcast_in_dim3A_294], %broadcast_in_dim3A_295 masked %eq3A_181 : memref<78xi32, #tpu.memory_space<vmem>>[vector<16xi32>], vector<16xi32>, vector<16xi1>
      %add3A_296 = arith.addi %scan3A_289, %squeeze3A_293 : i32
      scf.yield %add3A_296 : i32
    }
    %scan3A_217 = arith.constant 63 : i32
    %while3A_218 = arith.constant 0 : i32
    %while3A_219 = arith.constant 0 : i32
    %while3A_220 = arith.subi %scan3A_186, %while3A_219 : i32
    %while3A_221 = arith.addi %while3A_219, %while3A_220 : i32
    %while3A_222 = arith.constant 1 : i32
    %while3A_223 = arith.divsi %while3A_220, %while3A_222 : i32
    %while3A_224 = arith.muli %while3A_223, %while3A_222 : i32
    %while3A_225 = arith.addi %while3A_219, %while3A_224 : i32
    %while3A_226 = arith.constant 1 : i32
    scf.for %while3A_288 = %while3A_219 to %while3A_225 step %while3A_226  : i32 {
      %get3A_289 = arith.index_cast %while3A_288 : i32 to index
      %get3A_290 = tpu.vector_load %arg7[%get3A_289] {strides = array<i32>} : memref<16400xi32, #tpu.memory_space<vmem>>, vector<16xi32>,
      %slice3A_291 = vector.extract_strided_slice %get3A_290 {offsets = [0], sizes = [1], strides = [1]} : vector<16xi32> to vector<1xi32>
      %squeeze3A_292 = vector.extract %slice3A_291[0] : i32 from vector<1xi32>
      %get3A_293 = arith.index_cast %squeeze3A_292 : i32 to index
      %get3A_294 = tpu.vector_load %arg6[%get3A_293] {strides = array<i32>} : memref<16400xi32, #tpu.memory_space<vmem>>, vector<16xi32>,
      %slice3A_295 = vector.extract_strided_slice %get3A_294 {offsets = [0], sizes = [1], strides = [1]} : vector<16xi32> to vector<1xi32>
      %squeeze3A_296 = vector.extract %slice3A_295[0] : i32 from vector<1xi32>
      %ge3A = arith.constant 999936 : i32
      %ge3A_297 = arith.cmpi sge, %squeeze3A_296, %ge3A : i32
      %sub3A = arith.subi %squeeze3A_296, %mul3A_2 : i32
      %shift_right_arithmetic3A = arith.constant 9 : i32
      %shift_right_arithmetic3A_298 = arith.shrsi %sub3A, %shift_right_arithmetic3A : i32
      %jit3A_299 = arith.constant 62 : i32
      %select_n3A_300 = arith.select %ge3A_297, %jit3A_299, %shift_right_arithmetic3A_298 : i32
      %get3A_301 = arith.index_cast %select_n3A_300 : i32 to index
      %get3A_302 = tpu.vector_load %arg9[%get3A_301] {strides = array<i32>} : memref<78xi32, #tpu.memory_space<vmem>>, vector<16xi32>,
      %slice3A_303 = vector.extract_strided_slice %get3A_302 {offsets = [0], sizes = [1], strides = [1]} : vector<16xi32> to vector<1xi32>
      %squeeze3A_304 = vector.extract %slice3A_303[0] : i32 from vector<1xi32>
      %broadcast_in_dim3A_305 = vector.broadcast %squeeze3A_304 : i32 to vector<16xi32>
      %broadcast_in_dim3A_306 = vector.broadcast %squeeze3A_292 : i32 to vector<16xi32>
      tpu.vector_store_idx %arg8[%broadcast_in_dim3A_305], %broadcast_in_dim3A_306 masked %eq3A_181 : memref<16400xi32, #tpu.memory_space<vmem>>[vector<16xi32>], vector<16xi32>, vector<16xi1>
      %add3A_307 = arith.constant 1 : i32
      %add3A_308 = arith.addi %squeeze3A_304, %add3A_307 : i32
      %broadcast_in_dim3A_309 = vector.broadcast %select_n3A_300 : i32 to vector<16xi32>
      %broadcast_in_dim3A_310 = vector.broadcast %add3A_308 : i32 to vector<16xi32>
      tpu.vector_store_idx %arg9[%broadcast_in_dim3A_309], %broadcast_in_dim3A_310 masked %eq3A_181 : memref<78xi32, #tpu.memory_space<vmem>>[vector<16xi32>], vector<16xi32>, vector<16xi1>
    }
    %while3A_227 = arith.constant 1 : i32
    scf.for %while3A_288 = %while3A_225 to %while3A_221 step %while3A_227  : i32 {
      %get3A_289 = arith.index_cast %while3A_288 : i32 to index
      %get3A_290 = tpu.vector_load %arg7[%get3A_289] {strides = array<i32>} : memref<16400xi32, #tpu.memory_space<vmem>>, vector<16xi32>,
      %slice3A_291 = vector.extract_strided_slice %get3A_290 {offsets = [0], sizes = [1], strides = [1]} : vector<16xi32> to vector<1xi32>
      %squeeze3A_292 = vector.extract %slice3A_291[0] : i32 from vector<1xi32>
      %get3A_293 = arith.index_cast %squeeze3A_292 : i32 to index
      %get3A_294 = tpu.vector_load %arg6[%get3A_293] {strides = array<i32>} : memref<16400xi32, #tpu.memory_space<vmem>>, vector<16xi32>,
      %slice3A_295 = vector.extract_strided_slice %get3A_294 {offsets = [0], sizes = [1], strides = [1]} : vector<16xi32> to vector<1xi32>
      %squeeze3A_296 = vector.extract %slice3A_295[0] : i32 from vector<1xi32>
      %ge3A = arith.constant 999936 : i32
      %ge3A_297 = arith.cmpi sge, %squeeze3A_296, %ge3A : i32
      %sub3A = arith.subi %squeeze3A_296, %mul3A_2 : i32
      %shift_right_arithmetic3A = arith.constant 9 : i32
      %shift_right_arithmetic3A_298 = arith.shrsi %sub3A, %shift_right_arithmetic3A : i32
      %jit3A_299 = arith.constant 62 : i32
      %select_n3A_300 = arith.select %ge3A_297, %jit3A_299, %shift_right_arithmetic3A_298 : i32
      %get3A_301 = arith.index_cast %select_n3A_300 : i32 to index
      %get3A_302 = tpu.vector_load %arg9[%get3A_301] {strides = array<i32>} : memref<78xi32, #tpu.memory_space<vmem>>, vector<16xi32>,
      %slice3A_303 = vector.extract_strided_slice %get3A_302 {offsets = [0], sizes = [1], strides = [1]} : vector<16xi32> to vector<1xi32>
      %squeeze3A_304 = vector.extract %slice3A_303[0] : i32 from vector<1xi32>
      %broadcast_in_dim3A_305 = vector.broadcast %squeeze3A_304 : i32 to vector<16xi32>
      %broadcast_in_dim3A_306 = vector.broadcast %squeeze3A_292 : i32 to vector<16xi32>
      tpu.vector_store_idx %arg8[%broadcast_in_dim3A_305], %broadcast_in_dim3A_306 masked %eq3A_181 : memref<16400xi32, #tpu.memory_space<vmem>>[vector<16xi32>], vector<16xi32>, vector<16xi1>
      %add3A_307 = arith.constant 1 : i32
      %add3A_308 = arith.addi %squeeze3A_304, %add3A_307 : i32
      %broadcast_in_dim3A_309 = vector.broadcast %select_n3A_300 : i32 to vector<16xi32>
      %broadcast_in_dim3A_310 = vector.broadcast %add3A_308 : i32 to vector<16xi32>
      tpu.vector_store_idx %arg9[%broadcast_in_dim3A_309], %broadcast_in_dim3A_310 masked %eq3A_181 : memref<78xi32, #tpu.memory_space<vmem>>[vector<16xi32>], vector<16xi32>, vector<16xi1>
    }
    %scan3A_228 = arith.constant 0 : i32
    %scan3A_229 = arith.constant 0 : i32
    %scan3A_230 = arith.constant 31 : i32
    %scan3A_231 = arith.addi %scan3A_229, %scan3A_230 : i32
    %scan3A_232 = arith.constant 1 : i32
    %scan3A_233 = scf.for %scan3A_288 = %scan3A_229 to %scan3A_231 step %scan3A_232 iter_args(%scan3A_289 = %scan3A_228) -> (i32)  : i32 {
      %mul3A_290 = arith.constant 2 : i32
      %mul3A_291 = arith.muli %scan3A_288, %mul3A_290 : i32
      %mul3A_292 = arith.constant 245 : i32
      %mul3A_293 = arith.muli %add3A, %mul3A_292 : i32
      %mul3A_294 = arith.constant 4 : i32
      %mul3A_295 = arith.muli %mul3A_291, %mul3A_294 : i32
      %add3A_296 = arith.addi %mul3A_293, %mul3A_295 : i32
      %min3A_297 = arith.constant 7808 : i32
      %min3A_298 = arith.minsi %add3A_296, %min3A_297 : i32
      %mul3A_299 = arith.constant 128 : i32
      %mul3A_300 = arith.muli %min3A_298, %mul3A_299 : i32
      %multiple_of3A_301 = tpu.assume_multiple %mul3A_300, 128 : i32
      %dma_wait3A_302 = arith.constant 0 : i32
      %dma_wait3A_303 = tpu.memref_slice %arg2[%dma_wait3A_302, %multiple_of3A_301] : memref<64x1000000xf32, #tpu.memory_space<hbm>> -> memref<64x512xf32, #tpu.memory_space<hbm>>
      %dma_wait3A_304 = arith.constant 0 : i32
      %dma_wait3A_305 = tpu.memref_slice %arg2[%dma_wait3A_304, %multiple_of3A_301] : memref<64x1000000xf32, #tpu.memory_space<hbm>> -> memref<64x512xf32, #tpu.memory_space<hbm>>
      tpu.wait_dma2 semaphore(%arg14 : memref<!tpu.dma_semaphore, #tpu.memory_space<semaphore_mem>>) src(%dma_wait3A_305 : memref<64x512xf32, #tpu.memory_space<hbm>>) dst(%arg10 : memref<64x512xf32, #tpu.memory_space<vmem>>)
      %mul3A_306 = arith.constant 245 : i32
      %mul3A_307 = arith.muli %add3A, %mul3A_306 : i32
      %mul3A_308 = arith.constant 4 : i32
      %mul3A_309 = arith.muli %mul3A_291, %mul3A_308 : i32
      %add3A_310 = arith.addi %mul3A_307, %mul3A_309 : i32
      %min3A_311 = arith.constant 7808 : i32
      %min3A_312 = arith.minsi %add3A_310, %min3A_311 : i32
      %mul3A_313 = arith.constant 128 : i32
      %mul3A_314 = arith.muli %min3A_312, %mul3A_313 : i32
      %multiple_of3A_315 = tpu.assume_multiple %mul3A_314, 128 : i32
      %gt3A = arith.constant 0 : i32
      %gt3A_316 = arith.cmpi sgt, %mul3A_291, %gt3A : i32
      %sub3A = arith.constant 1 : i32
      %sub3A_317 = arith.subi %mul3A_291, %sub3A : i32
      %max3A_318 = arith.constant 0 : i32
      %max3A_319 = arith.maxsi %sub3A_317, %max3A_318 : i32
      %get3A_320 = arith.index_cast %max3A_319 : i32 to index
      %get3A_321 = tpu.vector_load %arg9[%get3A_320] {strides = array<i32>} : memref<78xi32, #tpu.memory_space<vmem>>, vector<16xi32>,
      %slice3A_322 = vector.extract_strided_slice %get3A_321 {offsets = [0], sizes = [1], strides = [1]} : vector<16xi32> to vector<1xi32>
      %squeeze3A_323 = vector.extract %slice3A_322[0] : i32 from vector<1xi32>
      %jit3A_324 = arith.constant 0 : i32
      %select_n3A_325 = arith.select %gt3A_316, %squeeze3A_323, %jit3A_324 : i32
      %get3A_326 = arith.index_cast %mul3A_291 : i32 to index
      %get3A_327 = tpu.vector_load %arg9[%get3A_326] {strides = array<i32>} : memref<78xi32, #tpu.memory_space<vmem>>, vector<16xi32>,
      %slice3A_328 = vector.extract_strided_slice %get3A_327 {offsets = [0], sizes = [1], strides = [1]} : vector<16xi32> to vector<1xi32>
      %squeeze3A_329 = vector.extract %slice3A_328[0] : i32 from vector<1xi32>
      %while3A_330 = arith.subi %squeeze3A_329, %select_n3A_325 : i32
      %while3A_331 = arith.addi %select_n3A_325, %while3A_330 : i32
      %while3A_332 = arith.constant 1 : i32
      %while3A_333 = arith.divsi %while3A_330, %while3A_332 : i32
      %while3A_334 = arith.muli %while3A_333, %while3A_332 : i32
      %while3A_335 = arith.addi %select_n3A_325, %while3A_334 : i32
      %while3A_336 = arith.constant 1 : i32
      %while3A_337 = scf.for %while3A_578 = %select_n3A_325 to %while3A_335 step %while3A_336 iter_args(%while3A_579 = %scan3A_289) -> (i32)  : i32 {
        %get3A_580 = arith.index_cast %while3A_578 : i32 to index
        %get3A_581 = tpu.vector_load %arg8[%get3A_580] {strides = array<i32>} : memref<16400xi32, #tpu.memory_space<vmem>>, vector<16xi32>,
        %slice3A_582 = vector.extract_strided_slice %get3A_581 {offsets = [0], sizes = [1], strides = [1]} : vector<16xi32> to vector<1xi32>
        %squeeze3A_583 = vector.extract %slice3A_582[0] : i32 from vector<1xi32>
        %get3A_584 = arith.index_cast %squeeze3A_583 : i32 to index
        %get3A_585 = tpu.vector_load %arg6[%get3A_584] {strides = array<i32>} : memref<16400xi32, #tpu.memory_space<vmem>>, vector<16xi32>,
        %slice3A_586 = vector.extract_strided_slice %get3A_585 {offsets = [0], sizes = [1], strides = [1]} : vector<16xi32> to vector<1xi32>
        %squeeze3A_587 = vector.extract %slice3A_586[0] : i32 from vector<1xi32>
        %sub3A_588 = arith.subi %squeeze3A_587, %multiple_of3A_315 : i32
        %iota3A_589 = tpu.iota {dimensions = array<i32: 0>} : vector<16xi32>
        %add3A_590 = arith.constant 0 : i32
        %add3A_591 = vector.broadcast %add3A_590 : i32 to vector<16xi32>
        %add3A_592 = arith.addi %iota3A_589, %add3A_591 : vector<16xi32>
        %broadcast_in_dim3A_593 = vector.broadcast %sub3A_588 : i32 to vector<16xi32>
        %gather3A = tpu.vector_load_idx %arg10[%add3A_592, %broadcast_in_dim3A_593] : memref<64x512xf32, #tpu.memory_space<vmem>>[vector<16xi32>, vector<16xi32>], vector<16xf32>,
        %swap3A_594 = arith.index_cast %while3A_579 : i32 to index
        %swap3A_595 = arith.constant 0 : index
        %swap3A_596 = tpu.vector_load %arg13[%swap3A_594, %swap3A_595] {strides = array<i32>} : memref<64x64xf32, #tpu.memory_space<vmem>>, vector<16xf32>,
        tpu.vector_store %arg13[%swap3A_594, %swap3A_595], %gather3A {strides = array<i32>} : memref<64x64xf32, #tpu.memory_space<vmem>>, vector<16xf32>,
        %iota3A_597 = tpu.iota {dimensions = array<i32: 0>} : vector<16xi32>
        %add3A_598 = arith.constant 16 : i32
        %add3A_599 = vector.broadcast %add3A_598 : i32 to vector<16xi32>
        %add3A_600 = arith.addi %iota3A_597, %add3A_599 : vector<16xi32>
        %broadcast_in_dim3A_601 = vector.broadcast %sub3A_588 : i32 to vector<16xi32>
        %gather3A_602 = tpu.vector_load_idx %arg10[%add3A_600, %broadcast_in_dim3A_601] : memref<64x512xf32, #tpu.memory_space<vmem>>[vector<16xi32>, vector<16xi32>], vector<16xf32>,
        %swap3A_603 = arith.index_cast %while3A_579 : i32 to index
        %swap3A_604 = arith.constant 16 : index
        %swap3A_605 = tpu.vector_load %arg13[%swap3A_603, %swap3A_604] {strides = array<i32>} : memref<64x64xf32, #tpu.memory_space<vmem>>, vector<16xf32>,
        tpu.vector_store %arg13[%swap3A_603, %swap3A_604], %gather3A_602 {strides = array<i32>} : memref<64x64xf32, #tpu.memory_space<vmem>>, vector<16xf32>,
        %iota3A_606 = tpu.iota {dimensions = array<i32: 0>} : vector<16xi32>
        %add3A_607 = arith.constant 32 : i32
        %add3A_608 = vector.broadcast %add3A_607 : i32 to vector<16xi32>
        %add3A_609 = arith.addi %iota3A_606, %add3A_608 : vector<16xi32>
        %broadcast_in_dim3A_610 = vector.broadcast %sub3A_588 : i32 to vector<16xi32>
        %gather3A_611 = tpu.vector_load_idx %arg10[%add3A_609, %broadcast_in_dim3A_610] : memref<64x512xf32, #tpu.memory_space<vmem>>[vector<16xi32>, vector<16xi32>], vector<16xf32>,
        %swap3A_612 = arith.index_cast %while3A_579 : i32 to index
        %swap3A_613 = arith.constant 32 : index
        %swap3A_614 = tpu.vector_load %arg13[%swap3A_612, %swap3A_613] {strides = array<i32>} : memref<64x64xf32, #tpu.memory_space<vmem>>, vector<16xf32>,
        tpu.vector_store %arg13[%swap3A_612, %swap3A_613], %gather3A_611 {strides = array<i32>} : memref<64x64xf32, #tpu.memory_space<vmem>>, vector<16xf32>,
        %iota3A_615 = tpu.iota {dimensions = array<i32: 0>} : vector<16xi32>
        %add3A_616 = arith.constant 48 : i32
        %add3A_617 = vector.broadcast %add3A_616 : i32 to vector<16xi32>
        %add3A_618 = arith.addi %iota3A_615, %add3A_617 : vector<16xi32>
        %broadcast_in_dim3A_619 = vector.broadcast %sub3A_588 : i32 to vector<16xi32>
        %gather3A_620 = tpu.vector_load_idx %arg10[%add3A_618, %broadcast_in_dim3A_619] : memref<64x512xf32, #tpu.memory_space<vmem>>[vector<16xi32>, vector<16xi32>], vector<16xf32>,
        %swap3A_621 = arith.index_cast %while3A_579 : i32 to index
        %swap3A_622 = arith.constant 48 : index
        %swap3A_623 = tpu.vector_load %arg13[%swap3A_621, %swap3A_622] {strides = array<i32>} : memref<64x64xf32, #tpu.memory_space<vmem>>, vector<16xf32>,
        tpu.vector_store %arg13[%swap3A_621, %swap3A_622], %gather3A_620 {strides = array<i32>} : memref<64x64xf32, #tpu.memory_space<vmem>>, vector<16xf32>,
        %dma_start3A_624 = arith.constant 0 : i32
        %dma_start3A_625 = tpu.memref_slice %arg13[%while3A_579, %dma_start3A_624] : memref<64x64xf32, #tpu.memory_space<vmem>> -> memref<1x64xf32, #tpu.memory_space<vmem>>
        %dma_start3A_626 = arith.constant 0 : i32
        %dma_start3A_627 = tpu.memref_slice %arg5[%squeeze3A_583, %dma_start3A_626] : memref<16384x64xf32, #tpu.memory_space<hbm>> -> memref<1x64xf32, #tpu.memory_space<hbm>>
        %dma_start3A_628 = arith.constant 0 : i32
        %dma_start3A_629 = tpu.memref_slice %arg5[%squeeze3A_583, %dma_start3A_628] : memref<16384x64xf32, #tpu.memory_space<hbm>> -> memref<1x64xf32, #tpu.memory_space<hbm>>
        %dma_start3A_630 = arith.constant 0 : i32
        %dma_start3A_631 = tpu.memref_slice %arg13[%while3A_579, %dma_start3A_630] : memref<64x64xf32, #tpu.memory_space<vmem>> -> memref<1x64xf32, #tpu.memory_space<vmem>>
        tpu.enqueue_dma source(%dma_start3A_631 : memref<1x64xf32, #tpu.memory_space<vmem>>) target(%dma_start3A_629 : memref<1x64xf32, #tpu.memory_space<hbm>>) target_semaphore(%arg16 : memref<!tpu.dma_semaphore, #tpu.memory_space<semaphore_mem>>)
        %add3A_632 = arith.constant 1 : i32
        %add3A_633 = arith.addi %while3A_579, %add3A_632 : i32
        %ge3A = arith.constant 64 : i32
        %ge3A_634 = arith.cmpi sge, %add3A_633, %ge3A : i32
        %convert_element_type3A = arith.extui %ge3A_634 : i1 to i32
        %cond3A = arith.constant 0 : i32
        %cond3A_635 = arith.cmpi ne, %convert_element_type3A, %cond3A : i32
        %cond3A_636 = scf.if %cond3A_635 -> (i32) {
          %dma_wait3A_637 = arith.constant 0 : i32
          %dma_wait3A_638 = arith.constant 0 : i32
          %dma_wait3A_639 = tpu.memref_slice %arg5[%dma_wait3A_637, %dma_wait3A_638] : memref<16384x64xf32, #tpu.memory_space<hbm>> -> memref<64x64xf32, #tpu.memory_space<hbm>>
          %dma_wait3A_640 = arith.constant 0 : i32
          %dma_wait3A_641 = arith.constant 0 : i32
          %dma_wait3A_642 = tpu.memref_slice %arg5[%dma_wait3A_640, %dma_wait3A_641] : memref<16384x64xf32, #tpu.memory_space<hbm>> -> memref<64x64xf32, #tpu.memory_space<hbm>>
          tpu.wait_dma2 semaphore(%arg16 : memref<!tpu.dma_semaphore, #tpu.memory_space<semaphore_mem>>) src(%dma_wait3A_642 : memref<64x64xf32, #tpu.memory_space<hbm>>) dst(%arg13 : memref<64x64xf32, #tpu.memory_space<vmem>>)
          %cond3A_643 = arith.constant 0 : i32
          scf.yield %cond3A_643 : i32
        } else {
          scf.yield %add3A_633 : i32
        }
        scf.yield %cond3A_636 : i32
      }
      %while3A_338 = arith.constant 1 : i32
      %while3A_339 = scf.for %while3A_578 = %while3A_335 to %while3A_331 step %while3A_338 iter_args(%while3A_579 = %while3A_337) -> (i32)  : i32 {
        %get3A_580 = arith.index_cast %while3A_578 : i32 to index
        %get3A_581 = tpu.vector_load %arg8[%get3A_580] {strides = array<i32>} : memref<16400xi32, #tpu.memory_space<vmem>>, vector<16xi32>,
        %slice3A_582 = vector.extract_strided_slice %get3A_581 {offsets = [0], sizes = [1], strides = [1]} : vector<16xi32> to vector<1xi32>
        %squeeze3A_583 = vector.extract %slice3A_582[0] : i32 from vector<1xi32>
        %get3A_584 = arith.index_cast %squeeze3A_583 : i32 to index
        %get3A_585 = tpu.vector_load %arg6[%get3A_584] {strides = array<i32>} : memref<16400xi32, #tpu.memory_space<vmem>>, vector<16xi32>,
        %slice3A_586 = vector.extract_strided_slice %get3A_585 {offsets = [0], sizes = [1], strides = [1]} : vector<16xi32> to vector<1xi32>
        %squeeze3A_587 = vector.extract %slice3A_586[0] : i32 from vector<1xi32>
        %sub3A_588 = arith.subi %squeeze3A_587, %multiple_of3A_315 : i32
        %iota3A_589 = tpu.iota {dimensions = array<i32: 0>} : vector<16xi32>
        %add3A_590 = arith.constant 0 : i32
        %add3A_591 = vector.broadcast %add3A_590 : i32 to vector<16xi32>
        %add3A_592 = arith.addi %iota3A_589, %add3A_591 : vector<16xi32>
        %broadcast_in_dim3A_593 = vector.broadcast %sub3A_588 : i32 to vector<16xi32>
        %gather3A = tpu.vector_load_idx %arg10[%add3A_592, %broadcast_in_dim3A_593] : memref<64x512xf32, #tpu.memory_space<vmem>>[vector<16xi32>, vector<16xi32>], vector<16xf32>,
        %swap3A_594 = arith.index_cast %while3A_579 : i32 to index
        %swap3A_595 = arith.constant 0 : index
        %swap3A_596 = tpu.vector_load %arg13[%swap3A_594, %swap3A_595] {strides = array<i32>} : memref<64x64xf32, #tpu.memory_space<vmem>>, vector<16xf32>,
        tpu.vector_store %arg13[%swap3A_594, %swap3A_595], %gather3A {strides = array<i32>} : memref<64x64xf32, #tpu.memory_space<vmem>>, vector<16xf32>,
        %iota3A_597 = tpu.iota {dimensions = array<i32: 0>} : vector<16xi32>
        %add3A_598 = arith.constant 16 : i32
        %add3A_599 = vector.broadcast %add3A_598 : i32 to vector<16xi32>
        %add3A_600 = arith.addi %iota3A_597, %add3A_599 : vector<16xi32>
        %broadcast_in_dim3A_601 = vector.broadcast %sub3A_588 : i32 to vector<16xi32>
        %gather3A_602 = tpu.vector_load_idx %arg10[%add3A_600, %broadcast_in_dim3A_601] : memref<64x512xf32, #tpu.memory_space<vmem>>[vector<16xi32>, vector<16xi32>], vector<16xf32>,
        %swap3A_603 = arith.index_cast %while3A_579 : i32 to index
        %swap3A_604 = arith.constant 16 : index
        %swap3A_605 = tpu.vector_load %arg13[%swap3A_603, %swap3A_604] {strides = array<i32>} : memref<64x64xf32, #tpu.memory_space<vmem>>, vector<16xf32>,
        tpu.vector_store %arg13[%swap3A_603, %swap3A_604], %gather3A_602 {strides = array<i32>} : memref<64x64xf32, #tpu.memory_space<vmem>>, vector<16xf32>,
        %iota3A_606 = tpu.iota {dimensions = array<i32: 0>} : vector<16xi32>
        %add3A_607 = arith.constant 32 : i32
        %add3A_608 = vector.broadcast %add3A_607 : i32 to vector<16xi32>
        %add3A_609 = arith.addi %iota3A_606, %add3A_608 : vector<16xi32>
        %broadcast_in_dim3A_610 = vector.broadcast %sub3A_588 : i32 to vector<16xi32>
        %gather3A_611 = tpu.vector_load_idx %arg10[%add3A_609, %broadcast_in_dim3A_610] : memref<64x512xf32, #tpu.memory_space<vmem>>[vector<16xi32>, vector<16xi32>], vector<16xf32>,
        %swap3A_612 = arith.index_cast %while3A_579 : i32 to index
        %swap3A_613 = arith.constant 32 : index
        %swap3A_614 = tpu.vector_load %arg13[%swap3A_612, %swap3A_613] {strides = array<i32>} : memref<64x64xf32, #tpu.memory_space<vmem>>, vector<16xf32>,
        tpu.vector_store %arg13[%swap3A_612, %swap3A_613], %gather3A_611 {strides = array<i32>} : memref<64x64xf32, #tpu.memory_space<vmem>>, vector<16xf32>,
        %iota3A_615 = tpu.iota {dimensions = array<i32: 0>} : vector<16xi32>
        %add3A_616 = arith.constant 48 : i32
        %add3A_617 = vector.broadcast %add3A_616 : i32 to vector<16xi32>
        %add3A_618 = arith.addi %iota3A_615, %add3A_617 : vector<16xi32>
        %broadcast_in_dim3A_619 = vector.broadcast %sub3A_588 : i32 to vector<16xi32>
        %gather3A_620 = tpu.vector_load_idx %arg10[%add3A_618, %broadcast_in_dim3A_619] : memref<64x512xf32, #tpu.memory_space<vmem>>[vector<16xi32>, vector<16xi32>], vector<16xf32>,
        %swap3A_621 = arith.index_cast %while3A_579 : i32 to index
        %swap3A_622 = arith.constant 48 : index
        %swap3A_623 = tpu.vector_load %arg13[%swap3A_621, %swap3A_622] {strides = array<i32>} : memref<64x64xf32, #tpu.memory_space<vmem>>, vector<16xf32>,
        tpu.vector_store %arg13[%swap3A_621, %swap3A_622], %gather3A_620 {strides = array<i32>} : memref<64x64xf32, #tpu.memory_space<vmem>>, vector<16xf32>,
        %dma_start3A_624 = arith.constant 0 : i32
        %dma_start3A_625 = tpu.memref_slice %arg13[%while3A_579, %dma_start3A_624] : memref<64x64xf32, #tpu.memory_space<vmem>> -> memref<1x64xf32, #tpu.memory_space<vmem>>
        %dma_start3A_626 = arith.constant 0 : i32
        %dma_start3A_627 = tpu.memref_slice %arg5[%squeeze3A_583, %dma_start3A_626] : memref<16384x64xf32, #tpu.memory_space<hbm>> -> memref<1x64xf32, #tpu.memory_space<hbm>>
        %dma_start3A_628 = arith.constant 0 : i32
        %dma_start3A_629 = tpu.memref_slice %arg5[%squeeze3A_583, %dma_start3A_628] : memref<16384x64xf32, #tpu.memory_space<hbm>> -> memref<1x64xf32, #tpu.memory_space<hbm>>
        %dma_start3A_630 = arith.constant 0 : i32
        %dma_start3A_631 = tpu.memref_slice %arg13[%while3A_579, %dma_start3A_630] : memref<64x64xf32, #tpu.memory_space<vmem>> -> memref<1x64xf32, #tpu.memory_space<vmem>>
        tpu.enqueue_dma source(%dma_start3A_631 : memref<1x64xf32, #tpu.memory_space<vmem>>) target(%dma_start3A_629 : memref<1x64xf32, #tpu.memory_space<hbm>>) target_semaphore(%arg16 : memref<!tpu.dma_semaphore, #tpu.memory_space<semaphore_mem>>)
        %add3A_632 = arith.constant 1 : i32
        %add3A_633 = arith.addi %while3A_579, %add3A_632 : i32
        %ge3A = arith.constant 64 : i32
        %ge3A_634 = arith.cmpi sge, %add3A_633, %ge3A : i32
        %convert_element_type3A = arith.extui %ge3A_634 : i1 to i32
        %cond3A = arith.constant 0 : i32
        %cond3A_635 = arith.cmpi ne, %convert_element_type3A, %cond3A : i32
        %cond3A_636 = scf.if %cond3A_635 -> (i32) {
          %dma_wait3A_637 = arith.constant 0 : i32
          %dma_wait3A_638 = arith.constant 0 : i32
          %dma_wait3A_639 = tpu.memref_slice %arg5[%dma_wait3A_637, %dma_wait3A_638] : memref<16384x64xf32, #tpu.memory_space<hbm>> -> memref<64x64xf32, #tpu.memory_space<hbm>>
          %dma_wait3A_640 = arith.constant 0 : i32
          %dma_wait3A_641 = arith.constant 0 : i32
          %dma_wait3A_642 = tpu.memref_slice %arg5[%dma_wait3A_640, %dma_wait3A_641] : memref<16384x64xf32, #tpu.memory_space<hbm>> -> memref<64x64xf32, #tpu.memory_space<hbm>>
          tpu.wait_dma2 semaphore(%arg16 : memref<!tpu.dma_semaphore, #tpu.memory_space<semaphore_mem>>) src(%dma_wait3A_642 : memref<64x64xf32, #tpu.memory_space<hbm>>) dst(%arg13 : memref<64x64xf32, #tpu.memory_space<vmem>>)
          %cond3A_643 = arith.constant 0 : i32
          scf.yield %cond3A_643 : i32
        } else {
          scf.yield %add3A_633 : i32
        }
        scf.yield %cond3A_636 : i32
      }
      %add3A_340 = arith.constant 2 : i32
      %add3A_341 = arith.addi %mul3A_291, %add3A_340 : i32
      %mul3A_342 = arith.constant 245 : i32
      %mul3A_343 = arith.muli %add3A, %mul3A_342 : i32
      %mul3A_344 = arith.constant 4 : i32
      %mul3A_345 = arith.muli %add3A_341, %mul3A_344 : i32
      %add3A_346 = arith.addi %mul3A_343, %mul3A_345 : i32
      %min3A_347 = arith.constant 7808 : i32
      %min3A_348 = arith.minsi %add3A_346, %min3A_347 : i32
      %mul3A_349 = arith.constant 128 : i32
      %mul3A_350 = arith.muli %min3A_348, %mul3A_349 : i32
      %multiple_of3A_351 = tpu.assume_multiple %mul3A_350, 128 : i32
      %dma_start3A_352 = arith.constant 0 : i32
      %dma_start3A_353 = arith.constant 0 : i32
      %dma_start3A_354 = tpu.memref_slice %arg10[%dma_start3A_352, %dma_start3A_353] : memref<64x512xf32, #tpu.memory_space<vmem>> -> memref<8x512xf32, #tpu.memory_space<vmem>>
      %dma_start3A_355 = arith.constant 0 : i32
      %dma_start3A_356 = tpu.memref_slice %arg2[%dma_start3A_355, %multiple_of3A_351] : memref<64x1000000xf32, #tpu.memory_space<hbm>> -> memref<8x512xf32, #tpu.memory_space<hbm>>
      %dma_start3A_357 = arith.constant 0 : i32
      %dma_start3A_358 = arith.constant 0 : i32
      %dma_start3A_359 = tpu.memref_slice %arg10[%dma_start3A_357, %dma_start3A_358] : memref<64x512xf32, #tpu.memory_space<vmem>> -> memref<8x512xf32, #tpu.memory_space<vmem>>
      %dma_start3A_360 = arith.constant 0 : i32
      %dma_start3A_361 = tpu.memref_slice %arg2[%dma_start3A_360, %multiple_of3A_351] : memref<64x1000000xf32, #tpu.memory_space<hbm>> -> memref<8x512xf32, #tpu.memory_space<hbm>>
      tpu.enqueue_dma source(%dma_start3A_361 : memref<8x512xf32, #tpu.memory_space<hbm>>) target(%dma_start3A_359 : memref<8x512xf32, #tpu.memory_space<vmem>>) target_semaphore(%arg14 : memref<!tpu.dma_semaphore, #tpu.memory_space<semaphore_mem>>)
      %dma_start3A_362 = arith.constant 8 : i32
      %dma_start3A_363 = arith.constant 0 : i32
      %dma_start3A_364 = tpu.memref_slice %arg10[%dma_start3A_362, %dma_start3A_363] : memref<64x512xf32, #tpu.memory_space<vmem>> -> memref<8x512xf32, #tpu.memory_space<vmem>>
      %dma_start3A_365 = arith.constant 8 : i32
      %dma_start3A_366 = tpu.memref_slice %arg2[%dma_start3A_365, %multiple_of3A_351] : memref<64x1000000xf32, #tpu.memory_space<hbm>> -> memref<8x512xf32, #tpu.memory_space<hbm>>
      %dma_start3A_367 = arith.constant 8 : i32
      %dma_start3A_368 = arith.constant 0 : i32
      %dma_start3A_369 = tpu.memref_slice %arg10[%dma_start3A_367, %dma_start3A_368] : memref<64x512xf32, #tpu.memory_space<vmem>> -> memref<8x512xf32, #tpu.memory_space<vmem>>
      %dma_start3A_370 = arith.constant 8 : i32
      %dma_start3A_371 = tpu.memref_slice %arg2[%dma_start3A_370, %multiple_of3A_351] : memref<64x1000000xf32, #tpu.memory_space<hbm>> -> memref<8x512xf32, #tpu.memory_space<hbm>>
      tpu.enqueue_dma source(%dma_start3A_371 : memref<8x512xf32, #tpu.memory_space<hbm>>) target(%dma_start3A_369 : memref<8x512xf32, #tpu.memory_space<vmem>>) target_semaphore(%arg14 : memref<!tpu.dma_semaphore, #tpu.memory_space<semaphore_mem>>)
      %dma_start3A_372 = arith.constant 16 : i32
      %dma_start3A_373 = arith.constant 0 : i32
      %dma_start3A_374 = tpu.memref_slice %arg10[%dma_start3A_372, %dma_start3A_373] : memref<64x512xf32, #tpu.memory_space<vmem>> -> memref<8x512xf32, #tpu.memory_space<vmem>>
      %dma_start3A_375 = arith.constant 16 : i32
      %dma_start3A_376 = tpu.memref_slice %arg2[%dma_start3A_375, %multiple_of3A_351] : memref<64x1000000xf32, #tpu.memory_space<hbm>> -> memref<8x512xf32, #tpu.memory_space<hbm>>
      %dma_start3A_377 = arith.constant 16 : i32
      %dma_start3A_378 = arith.constant 0 : i32
      %dma_start3A_379 = tpu.memref_slice %arg10[%dma_start3A_377, %dma_start3A_378] : memref<64x512xf32, #tpu.memory_space<vmem>> -> memref<8x512xf32, #tpu.memory_space<vmem>>
      %dma_start3A_380 = arith.constant 16 : i32
      %dma_start3A_381 = tpu.memref_slice %arg2[%dma_start3A_380, %multiple_of3A_351] : memref<64x1000000xf32, #tpu.memory_space<hbm>> -> memref<8x512xf32, #tpu.memory_space<hbm>>
      tpu.enqueue_dma source(%dma_start3A_381 : memref<8x512xf32, #tpu.memory_space<hbm>>) target(%dma_start3A_379 : memref<8x512xf32, #tpu.memory_space<vmem>>) target_semaphore(%arg14 : memref<!tpu.dma_semaphore, #tpu.memory_space<semaphore_mem>>)
      %dma_start3A_382 = arith.constant 24 : i32
      %dma_start3A_383 = arith.constant 0 : i32
      %dma_start3A_384 = tpu.memref_slice %arg10[%dma_start3A_382, %dma_start3A_383] : memref<64x512xf32, #tpu.memory_space<vmem>> -> memref<8x512xf32, #tpu.memory_space<vmem>>
      %dma_start3A_385 = arith.constant 24 : i32
      %dma_start3A_386 = tpu.memref_slice %arg2[%dma_start3A_385, %multiple_of3A_351] : memref<64x1000000xf32, #tpu.memory_space<hbm>> -> memref<8x512xf32, #tpu.memory_space<hbm>>
      %dma_start3A_387 = arith.constant 24 : i32
      %dma_start3A_388 = arith.constant 0 : i32
      %dma_start3A_389 = tpu.memref_slice %arg10[%dma_start3A_387, %dma_start3A_388] : memref<64x512xf32, #tpu.memory_space<vmem>> -> memref<8x512xf32, #tpu.memory_space<vmem>>
      %dma_start3A_390 = arith.constant 24 : i32
      %dma_start3A_391 = tpu.memref_slice %arg2[%dma_start3A_390, %multiple_of3A_351] : memref<64x1000000xf32, #tpu.memory_space<hbm>> -> memref<8x512xf32, #tpu.memory_space<hbm>>
      tpu.enqueue_dma source(%dma_start3A_391 : memref<8x512xf32, #tpu.memory_space<hbm>>) target(%dma_start3A_389 : memref<8x512xf32, #tpu.memory_space<vmem>>) target_semaphore(%arg14 : memref<!tpu.dma_semaphore, #tpu.memory_space<semaphore_mem>>)
      %dma_start3A_392 = arith.constant 32 : i32
      %dma_start3A_393 = arith.constant 0 : i32
      %dma_start3A_394 = tpu.memref_slice %arg10[%dma_start3A_392, %dma_start3A_393] : memref<64x512xf32, #tpu.memory_space<vmem>> -> memref<8x512xf32, #tpu.memory_space<vmem>>
      %dma_start3A_395 = arith.constant 32 : i32
      %dma_start3A_396 = tpu.memref_slice %arg2[%dma_start3A_395, %multiple_of3A_351] : memref<64x1000000xf32, #tpu.memory_space<hbm>> -> memref<8x512xf32, #tpu.memory_space<hbm>>
      %dma_start3A_397 = arith.constant 32 : i32
      %dma_start3A_398 = arith.constant 0 : i32
      %dma_start3A_399 = tpu.memref_slice %arg10[%dma_start3A_397, %dma_start3A_398] : memref<64x512xf32, #tpu.memory_space<vmem>> -> memref<8x512xf32, #tpu.memory_space<vmem>>
      %dma_start3A_400 = arith.constant 32 : i32
      %dma_start3A_401 = tpu.memref_slice %arg2[%dma_start3A_400, %multiple_of3A_351] : memref<64x1000000xf32, #tpu.memory_space<hbm>> -> memref<8x512xf32, #tpu.memory_space<hbm>>
      tpu.enqueue_dma source(%dma_start3A_401 : memref<8x512xf32, #tpu.memory_space<hbm>>) target(%dma_start3A_399 : memref<8x512xf32, #tpu.memory_space<vmem>>) target_semaphore(%arg14 : memref<!tpu.dma_semaphore, #tpu.memory_space<semaphore_mem>>)
      %dma_start3A_402 = arith.constant 40 : i32
      %dma_start3A_403 = arith.constant 0 : i32
      %dma_start3A_404 = tpu.memref_slice %arg10[%dma_start3A_402, %dma_start3A_403] : memref<64x512xf32, #tpu.memory_space<vmem>> -> memref<8x512xf32, #tpu.memory_space<vmem>>
      %dma_start3A_405 = arith.constant 40 : i32
      %dma_start3A_406 = tpu.memref_slice %arg2[%dma_start3A_405, %multiple_of3A_351] : memref<64x1000000xf32, #tpu.memory_space<hbm>> -> memref<8x512xf32, #tpu.memory_space<hbm>>
      %dma_start3A_407 = arith.constant 40 : i32
      %dma_start3A_408 = arith.constant 0 : i32
      %dma_start3A_409 = tpu.memref_slice %arg10[%dma_start3A_407, %dma_start3A_408] : memref<64x512xf32, #tpu.memory_space<vmem>> -> memref<8x512xf32, #tpu.memory_space<vmem>>
      %dma_start3A_410 = arith.constant 40 : i32
      %dma_start3A_411 = tpu.memref_slice %arg2[%dma_start3A_410, %multiple_of3A_351] : memref<64x1000000xf32, #tpu.memory_space<hbm>> -> memref<8x512xf32, #tpu.memory_space<hbm>>
      tpu.enqueue_dma source(%dma_start3A_411 : memref<8x512xf32, #tpu.memory_space<hbm>>) target(%dma_start3A_409 : memref<8x512xf32, #tpu.memory_space<vmem>>) target_semaphore(%arg14 : memref<!tpu.dma_semaphore, #tpu.memory_space<semaphore_mem>>)
      %dma_start3A_412 = arith.constant 48 : i32
      %dma_start3A_413 = arith.constant 0 : i32
      %dma_start3A_414 = tpu.memref_slice %arg10[%dma_start3A_412, %dma_start3A_413] : memref<64x512xf32, #tpu.memory_space<vmem>> -> memref<8x512xf32, #tpu.memory_space<vmem>>
      %dma_start3A_415 = arith.constant 48 : i32
      %dma_start3A_416 = tpu.memref_slice %arg2[%dma_start3A_415, %multiple_of3A_351] : memref<64x1000000xf32, #tpu.memory_space<hbm>> -> memref<8x512xf32, #tpu.memory_space<hbm>>
      %dma_start3A_417 = arith.constant 48 : i32
      %dma_start3A_418 = arith.constant 0 : i32
      %dma_start3A_419 = tpu.memref_slice %arg10[%dma_start3A_417, %dma_start3A_418] : memref<64x512xf32, #tpu.memory_space<vmem>> -> memref<8x512xf32, #tpu.memory_space<vmem>>
      %dma_start3A_420 = arith.constant 48 : i32
      %dma_start3A_421 = tpu.memref_slice %arg2[%dma_start3A_420, %multiple_of3A_351] : memref<64x1000000xf32, #tpu.memory_space<hbm>> -> memref<8x512xf32, #tpu.memory_space<hbm>>
      tpu.enqueue_dma source(%dma_start3A_421 : memref<8x512xf32, #tpu.memory_space<hbm>>) target(%dma_start3A_419 : memref<8x512xf32, #tpu.memory_space<vmem>>) target_semaphore(%arg14 : memref<!tpu.dma_semaphore, #tpu.memory_space<semaphore_mem>>)
      %dma_start3A_422 = arith.constant 56 : i32
      %dma_start3A_423 = arith.constant 0 : i32
      %dma_start3A_424 = tpu.memref_slice %arg10[%dma_start3A_422, %dma_start3A_423] : memref<64x512xf32, #tpu.memory_space<vmem>> -> memref<8x512xf32, #tpu.memory_space<vmem>>
      %dma_start3A_425 = arith.constant 56 : i32
      %dma_start3A_426 = tpu.memref_slice %arg2[%dma_start3A_425, %multiple_of3A_351] : memref<64x1000000xf32, #tpu.memory_space<hbm>> -> memref<8x512xf32, #tpu.memory_space<hbm>>
      %dma_start3A_427 = arith.constant 56 : i32
      %dma_start3A_428 = arith.constant 0 : i32
      %dma_start3A_429 = tpu.memref_slice %arg10[%dma_start3A_427, %dma_start3A_428] : memref<64x512xf32, #tpu.memory_space<vmem>> -> memref<8x512xf32, #tpu.memory_space<vmem>>
      %dma_start3A_430 = arith.constant 56 : i32
      %dma_start3A_431 = tpu.memref_slice %arg2[%dma_start3A_430, %multiple_of3A_351] : memref<64x1000000xf32, #tpu.memory_space<hbm>> -> memref<8x512xf32, #tpu.memory_space<hbm>>
      tpu.enqueue_dma source(%dma_start3A_431 : memref<8x512xf32, #tpu.memory_space<hbm>>) target(%dma_start3A_429 : memref<8x512xf32, #tpu.memory_space<vmem>>) target_semaphore(%arg14 : memref<!tpu.dma_semaphore, #tpu.memory_space<semaphore_mem>>)
      %add3A_432 = arith.constant 1 : i32
      %add3A_433 = arith.addi %mul3A_291, %add3A_432 : i32
      %mul3A_434 = arith.constant 245 : i32
      %mul3A_435 = arith.muli %add3A, %mul3A_434 : i32
      %mul3A_436 = arith.constant 4 : i32
      %mul3A_437 = arith.muli %add3A_433, %mul3A_436 : i32
      %add3A_438 = arith.addi %mul3A_435, %mul3A_437 : i32
      %min3A_439 = arith.constant 7808 : i32
      %min3A_440 = arith.minsi %add3A_438, %min3A_439 : i32
      %mul3A_441 = arith.constant 128 : i32
      %mul3A_442 = arith.muli %min3A_440, %mul3A_441 : i32
      %multiple_of3A_443 = tpu.assume_multiple %mul3A_442, 128 : i32
      %dma_wait3A_444 = arith.constant 0 : i32
      %dma_wait3A_445 = tpu.memref_slice %arg2[%dma_wait3A_444, %multiple_of3A_443] : memref<64x1000000xf32, #tpu.memory_space<hbm>> -> memref<64x512xf32, #tpu.memory_space<hbm>>
      %dma_wait3A_446 = arith.constant 0 : i32
      %dma_wait3A_447 = tpu.memref_slice %arg2[%dma_wait3A_446, %multiple_of3A_443] : memref<64x1000000xf32, #tpu.memory_space<hbm>> -> memref<64x512xf32, #tpu.memory_space<hbm>>
      tpu.wait_dma2 semaphore(%arg15 : memref<!tpu.dma_semaphore, #tpu.memory_space<semaphore_mem>>) src(%dma_wait3A_447 : memref<64x512xf32, #tpu.memory_space<hbm>>) dst(%arg11 : memref<64x512xf32, #tpu.memory_space<vmem>>)
      %add3A_448 = arith.constant 1 : i32
      %add3A_449 = arith.addi %mul3A_291, %add3A_448 : i32
      %mul3A_450 = arith.constant 245 : i32
      %mul3A_451 = arith.muli %add3A, %mul3A_450 : i32
      %mul3A_452 = arith.constant 4 : i32
      %mul3A_453 = arith.muli %add3A_449, %mul3A_452 : i32
      %add3A_454 = arith.addi %mul3A_451, %mul3A_453 : i32
      %min3A_455 = arith.constant 7808 : i32
      %min3A_456 = arith.minsi %add3A_454, %min3A_455 : i32
      %mul3A_457 = arith.constant 128 : i32
      %mul3A_458 = arith.muli %min3A_456, %mul3A_457 : i32
      %multiple_of3A_459 = tpu.assume_multiple %mul3A_458, 128 : i32
      %gt3A_460 = arith.constant 0 : i32
      %gt3A_461 = arith.cmpi sgt, %add3A_449, %gt3A_460 : i32
      %sub3A_462 = arith.constant 1 : i32
      %sub3A_463 = arith.subi %add3A_449, %sub3A_462 : i32
      %max3A_464 = arith.constant 0 : i32
      %max3A_465 = arith.maxsi %sub3A_463, %max3A_464 : i32
      %get3A_466 = arith.index_cast %max3A_465 : i32 to index
      %get3A_467 = tpu.vector_load %arg9[%get3A_466] {strides = array<i32>} : memref<78xi32, #tpu.memory_space<vmem>>, vector<16xi32>,
      %slice3A_468 = vector.extract_strided_slice %get3A_467 {offsets = [0], sizes = [1], strides = [1]} : vector<16xi32> to vector<1xi32>
      %squeeze3A_469 = vector.extract %slice3A_468[0] : i32 from vector<1xi32>
      %jit3A_470 = arith.constant 0 : i32
      %select_n3A_471 = arith.select %gt3A_461, %squeeze3A_469, %jit3A_470 : i32
      %get3A_472 = arith.index_cast %add3A_449 : i32 to index
      %get3A_473 = tpu.vector_load %arg9[%get3A_472] {strides = array<i32>} : memref<78xi32, #tpu.memory_space<vmem>>, vector<16xi32>,
      %slice3A_474 = vector.extract_strided_slice %get3A_473 {offsets = [0], sizes = [1], strides = [1]} : vector<16xi32> to vector<1xi32>
      %squeeze3A_475 = vector.extract %slice3A_474[0] : i32 from vector<1xi32>
      %while3A_476 = arith.subi %squeeze3A_475, %select_n3A_471 : i32
      %while3A_477 = arith.addi %select_n3A_471, %while3A_476 : i32
      %while3A_478 = arith.constant 1 : i32
      %while3A_479 = arith.divsi %while3A_476, %while3A_478 : i32
      %while3A_480 = arith.muli %while3A_479, %while3A_478 : i32
      %while3A_481 = arith.addi %select_n3A_471, %while3A_480 : i32
      %while3A_482 = arith.constant 1 : i32
      %while3A_483 = scf.for %while3A_578 = %select_n3A_471 to %while3A_481 step %while3A_482 iter_args(%while3A_579 = %while3A_339) -> (i32)  : i32 {
        %get3A_580 = arith.index_cast %while3A_578 : i32 to index
        %get3A_581 = tpu.vector_load %arg8[%get3A_580] {strides = array<i32>} : memref<16400xi32, #tpu.memory_space<vmem>>, vector<16xi32>,
        %slice3A_582 = vector.extract_strided_slice %get3A_581 {offsets = [0], sizes = [1], strides = [1]} : vector<16xi32> to vector<1xi32>
        %squeeze3A_583 = vector.extract %slice3A_582[0] : i32 from vector<1xi32>
        %get3A_584 = arith.index_cast %squeeze3A_583 : i32 to index
        %get3A_585 = tpu.vector_load %arg6[%get3A_584] {strides = array<i32>} : memref<16400xi32, #tpu.memory_space<vmem>>, vector<16xi32>,
        %slice3A_586 = vector.extract_strided_slice %get3A_585 {offsets = [0], sizes = [1], strides = [1]} : vector<16xi32> to vector<1xi32>
        %squeeze3A_587 = vector.extract %slice3A_586[0] : i32 from vector<1xi32>
        %sub3A_588 = arith.subi %squeeze3A_587, %multiple_of3A_459 : i32
        %iota3A_589 = tpu.iota {dimensions = array<i32: 0>} : vector<16xi32>
        %add3A_590 = arith.constant 0 : i32
        %add3A_591 = vector.broadcast %add3A_590 : i32 to vector<16xi32>
        %add3A_592 = arith.addi %iota3A_589, %add3A_591 : vector<16xi32>
        %broadcast_in_dim3A_593 = vector.broadcast %sub3A_588 : i32 to vector<16xi32>
        %gather3A = tpu.vector_load_idx %arg11[%add3A_592, %broadcast_in_dim3A_593] : memref<64x512xf32, #tpu.memory_space<vmem>>[vector<16xi32>, vector<16xi32>], vector<16xf32>,
        %swap3A_594 = arith.index_cast %while3A_579 : i32 to index
        %swap3A_595 = arith.constant 0 : index
        %swap3A_596 = tpu.vector_load %arg13[%swap3A_594, %swap3A_595] {strides = array<i32>} : memref<64x64xf32, #tpu.memory_space<vmem>>, vector<16xf32>,
        tpu.vector_store %arg13[%swap3A_594, %swap3A_595], %gather3A {strides = array<i32>} : memref<64x64xf32, #tpu.memory_space<vmem>>, vector<16xf32>,
        %iota3A_597 = tpu.iota {dimensions = array<i32: 0>} : vector<16xi32>
        %add3A_598 = arith.constant 16 : i32
        %add3A_599 = vector.broadcast %add3A_598 : i32 to vector<16xi32>
        %add3A_600 = arith.addi %iota3A_597, %add3A_599 : vector<16xi32>
        %broadcast_in_dim3A_601 = vector.broadcast %sub3A_588 : i32 to vector<16xi32>
        %gather3A_602 = tpu.vector_load_idx %arg11[%add3A_600, %broadcast_in_dim3A_601] : memref<64x512xf32, #tpu.memory_space<vmem>>[vector<16xi32>, vector<16xi32>], vector<16xf32>,
        %swap3A_603 = arith.index_cast %while3A_579 : i32 to index
        %swap3A_604 = arith.constant 16 : index
        %swap3A_605 = tpu.vector_load %arg13[%swap3A_603, %swap3A_604] {strides = array<i32>} : memref<64x64xf32, #tpu.memory_space<vmem>>, vector<16xf32>,
        tpu.vector_store %arg13[%swap3A_603, %swap3A_604], %gather3A_602 {strides = array<i32>} : memref<64x64xf32, #tpu.memory_space<vmem>>, vector<16xf32>,
        %iota3A_606 = tpu.iota {dimensions = array<i32: 0>} : vector<16xi32>
        %add3A_607 = arith.constant 32 : i32
        %add3A_608 = vector.broadcast %add3A_607 : i32 to vector<16xi32>
        %add3A_609 = arith.addi %iota3A_606, %add3A_608 : vector<16xi32>
        %broadcast_in_dim3A_610 = vector.broadcast %sub3A_588 : i32 to vector<16xi32>
        %gather3A_611 = tpu.vector_load_idx %arg11[%add3A_609, %broadcast_in_dim3A_610] : memref<64x512xf32, #tpu.memory_space<vmem>>[vector<16xi32>, vector<16xi32>], vector<16xf32>,
        %swap3A_612 = arith.index_cast %while3A_579 : i32 to index
        %swap3A_613 = arith.constant 32 : index
        %swap3A_614 = tpu.vector_load %arg13[%swap3A_612, %swap3A_613] {strides = array<i32>} : memref<64x64xf32, #tpu.memory_space<vmem>>, vector<16xf32>,
        tpu.vector_store %arg13[%swap3A_612, %swap3A_613], %gather3A_611 {strides = array<i32>} : memref<64x64xf32, #tpu.memory_space<vmem>>, vector<16xf32>,
        %iota3A_615 = tpu.iota {dimensions = array<i32: 0>} : vector<16xi32>
        %add3A_616 = arith.constant 48 : i32
        %add3A_617 = vector.broadcast %add3A_616 : i32 to vector<16xi32>
        %add3A_618 = arith.addi %iota3A_615, %add3A_617 : vector<16xi32>
        %broadcast_in_dim3A_619 = vector.broadcast %sub3A_588 : i32 to vector<16xi32>
        %gather3A_620 = tpu.vector_load_idx %arg11[%add3A_618, %broadcast_in_dim3A_619] : memref<64x512xf32, #tpu.memory_space<vmem>>[vector<16xi32>, vector<16xi32>], vector<16xf32>,
        %swap3A_621 = arith.index_cast %while3A_579 : i32 to index
        %swap3A_622 = arith.constant 48 : index
        %swap3A_623 = tpu.vector_load %arg13[%swap3A_621, %swap3A_622] {strides = array<i32>} : memref<64x64xf32, #tpu.memory_space<vmem>>, vector<16xf32>,
        tpu.vector_store %arg13[%swap3A_621, %swap3A_622], %gather3A_620 {strides = array<i32>} : memref<64x64xf32, #tpu.memory_space<vmem>>, vector<16xf32>,
        %dma_start3A_624 = arith.constant 0 : i32
        %dma_start3A_625 = tpu.memref_slice %arg13[%while3A_579, %dma_start3A_624] : memref<64x64xf32, #tpu.memory_space<vmem>> -> memref<1x64xf32, #tpu.memory_space<vmem>>
        %dma_start3A_626 = arith.constant 0 : i32
        %dma_start3A_627 = tpu.memref_slice %arg5[%squeeze3A_583, %dma_start3A_626] : memref<16384x64xf32, #tpu.memory_space<hbm>> -> memref<1x64xf32, #tpu.memory_space<hbm>>
        %dma_start3A_628 = arith.constant 0 : i32
        %dma_start3A_629 = tpu.memref_slice %arg5[%squeeze3A_583, %dma_start3A_628] : memref<16384x64xf32, #tpu.memory_space<hbm>> -> memref<1x64xf32, #tpu.memory_space<hbm>>
        %dma_start3A_630 = arith.constant 0 : i32
        %dma_start3A_631 = tpu.memref_slice %arg13[%while3A_579, %dma_start3A_630] : memref<64x64xf32, #tpu.memory_space<vmem>> -> memref<1x64xf32, #tpu.memory_space<vmem>>
        tpu.enqueue_dma source(%dma_start3A_631 : memref<1x64xf32, #tpu.memory_space<vmem>>) target(%dma_start3A_629 : memref<1x64xf32, #tpu.memory_space<hbm>>) target_semaphore(%arg16 : memref<!tpu.dma_semaphore, #tpu.memory_space<semaphore_mem>>)
        %add3A_632 = arith.constant 1 : i32
        %add3A_633 = arith.addi %while3A_579, %add3A_632 : i32
        %ge3A = arith.constant 64 : i32
        %ge3A_634 = arith.cmpi sge, %add3A_633, %ge3A : i32
        %convert_element_type3A = arith.extui %ge3A_634 : i1 to i32
        %cond3A = arith.constant 0 : i32
        %cond3A_635 = arith.cmpi ne, %convert_element_type3A, %cond3A : i32
        %cond3A_636 = scf.if %cond3A_635 -> (i32) {
          %dma_wait3A_637 = arith.constant 0 : i32
          %dma_wait3A_638 = arith.constant 0 : i32
          %dma_wait3A_639 = tpu.memref_slice %arg5[%dma_wait3A_637, %dma_wait3A_638] : memref<16384x64xf32, #tpu.memory_space<hbm>> -> memref<64x64xf32, #tpu.memory_space<hbm>>
          %dma_wait3A_640 = arith.constant 0 : i32
          %dma_wait3A_641 = arith.constant 0 : i32
          %dma_wait3A_642 = tpu.memref_slice %arg5[%dma_wait3A_640, %dma_wait3A_641] : memref<16384x64xf32, #tpu.memory_space<hbm>> -> memref<64x64xf32, #tpu.memory_space<hbm>>
          tpu.wait_dma2 semaphore(%arg16 : memref<!tpu.dma_semaphore, #tpu.memory_space<semaphore_mem>>) src(%dma_wait3A_642 : memref<64x64xf32, #tpu.memory_space<hbm>>) dst(%arg13 : memref<64x64xf32, #tpu.memory_space<vmem>>)
          %cond3A_643 = arith.constant 0 : i32
          scf.yield %cond3A_643 : i32
        } else {
          scf.yield %add3A_633 : i32
        }
        scf.yield %cond3A_636 : i32
      }
      %while3A_484 = arith.constant 1 : i32
      %while3A_485 = scf.for %while3A_578 = %while3A_481 to %while3A_477 step %while3A_484 iter_args(%while3A_579 = %while3A_483) -> (i32)  : i32 {
        %get3A_580 = arith.index_cast %while3A_578 : i32 to index
        %get3A_581 = tpu.vector_load %arg8[%get3A_580] {strides = array<i32>} : memref<16400xi32, #tpu.memory_space<vmem>>, vector<16xi32>,
        %slice3A_582 = vector.extract_strided_slice %get3A_581 {offsets = [0], sizes = [1], strides = [1]} : vector<16xi32> to vector<1xi32>
        %squeeze3A_583 = vector.extract %slice3A_582[0] : i32 from vector<1xi32>
        %get3A_584 = arith.index_cast %squeeze3A_583 : i32 to index
        %get3A_585 = tpu.vector_load %arg6[%get3A_584] {strides = array<i32>} : memref<16400xi32, #tpu.memory_space<vmem>>, vector<16xi32>,
        %slice3A_586 = vector.extract_strided_slice %get3A_585 {offsets = [0], sizes = [1], strides = [1]} : vector<16xi32> to vector<1xi32>
        %squeeze3A_587 = vector.extract %slice3A_586[0] : i32 from vector<1xi32>
        %sub3A_588 = arith.subi %squeeze3A_587, %multiple_of3A_459 : i32
        %iota3A_589 = tpu.iota {dimensions = array<i32: 0>} : vector<16xi32>
        %add3A_590 = arith.constant 0 : i32
        %add3A_591 = vector.broadcast %add3A_590 : i32 to vector<16xi32>
        %add3A_592 = arith.addi %iota3A_589, %add3A_591 : vector<16xi32>
        %broadcast_in_dim3A_593 = vector.broadcast %sub3A_588 : i32 to vector<16xi32>
        %gather3A = tpu.vector_load_idx %arg11[%add3A_592, %broadcast_in_dim3A_593] : memref<64x512xf32, #tpu.memory_space<vmem>>[vector<16xi32>, vector<16xi32>], vector<16xf32>,
        %swap3A_594 = arith.index_cast %while3A_579 : i32 to index
        %swap3A_595 = arith.constant 0 : index
        %swap3A_596 = tpu.vector_load %arg13[%swap3A_594, %swap3A_595] {strides = array<i32>} : memref<64x64xf32, #tpu.memory_space<vmem>>, vector<16xf32>,
        tpu.vector_store %arg13[%swap3A_594, %swap3A_595], %gather3A {strides = array<i32>} : memref<64x64xf32, #tpu.memory_space<vmem>>, vector<16xf32>,
        %iota3A_597 = tpu.iota {dimensions = array<i32: 0>} : vector<16xi32>
        %add3A_598 = arith.constant 16 : i32
        %add3A_599 = vector.broadcast %add3A_598 : i32 to vector<16xi32>
        %add3A_600 = arith.addi %iota3A_597, %add3A_599 : vector<16xi32>
        %broadcast_in_dim3A_601 = vector.broadcast %sub3A_588 : i32 to vector<16xi32>
        %gather3A_602 = tpu.vector_load_idx %arg11[%add3A_600, %broadcast_in_dim3A_601] : memref<64x512xf32, #tpu.memory_space<vmem>>[vector<16xi32>, vector<16xi32>], vector<16xf32>,
        %swap3A_603 = arith.index_cast %while3A_579 : i32 to index
        %swap3A_604 = arith.constant 16 : index
        %swap3A_605 = tpu.vector_load %arg13[%swap3A_603, %swap3A_604] {strides = array<i32>} : memref<64x64xf32, #tpu.memory_space<vmem>>, vector<16xf32>,
        tpu.vector_store %arg13[%swap3A_603, %swap3A_604], %gather3A_602 {strides = array<i32>} : memref<64x64xf32, #tpu.memory_space<vmem>>, vector<16xf32>,
        %iota3A_606 = tpu.iota {dimensions = array<i32: 0>} : vector<16xi32>
        %add3A_607 = arith.constant 32 : i32
        %add3A_608 = vector.broadcast %add3A_607 : i32 to vector<16xi32>
        %add3A_609 = arith.addi %iota3A_606, %add3A_608 : vector<16xi32>
        %broadcast_in_dim3A_610 = vector.broadcast %sub3A_588 : i32 to vector<16xi32>
        %gather3A_611 = tpu.vector_load_idx %arg11[%add3A_609, %broadcast_in_dim3A_610] : memref<64x512xf32, #tpu.memory_space<vmem>>[vector<16xi32>, vector<16xi32>], vector<16xf32>,
        %swap3A_612 = arith.index_cast %while3A_579 : i32 to index
        %swap3A_613 = arith.constant 32 : index
        %swap3A_614 = tpu.vector_load %arg13[%swap3A_612, %swap3A_613] {strides = array<i32>} : memref<64x64xf32, #tpu.memory_space<vmem>>, vector<16xf32>,
        tpu.vector_store %arg13[%swap3A_612, %swap3A_613], %gather3A_611 {strides = array<i32>} : memref<64x64xf32, #tpu.memory_space<vmem>>, vector<16xf32>,
        %iota3A_615 = tpu.iota {dimensions = array<i32: 0>} : vector<16xi32>
        %add3A_616 = arith.constant 48 : i32
        %add3A_617 = vector.broadcast %add3A_616 : i32 to vector<16xi32>
        %add3A_618 = arith.addi %iota3A_615, %add3A_617 : vector<16xi32>
        %broadcast_in_dim3A_619 = vector.broadcast %sub3A_588 : i32 to vector<16xi32>
        %gather3A_620 = tpu.vector_load_idx %arg11[%add3A_618, %broadcast_in_dim3A_619] : memref<64x512xf32, #tpu.memory_space<vmem>>[vector<16xi32>, vector<16xi32>], vector<16xf32>,
        %swap3A_621 = arith.index_cast %while3A_579 : i32 to index
        %swap3A_622 = arith.constant 48 : index
        %swap3A_623 = tpu.vector_load %arg13[%swap3A_621, %swap3A_622] {strides = array<i32>} : memref<64x64xf32, #tpu.memory_space<vmem>>, vector<16xf32>,
        tpu.vector_store %arg13[%swap3A_621, %swap3A_622], %gather3A_620 {strides = array<i32>} : memref<64x64xf32, #tpu.memory_space<vmem>>, vector<16xf32>,
        %dma_start3A_624 = arith.constant 0 : i32
        %dma_start3A_625 = tpu.memref_slice %arg13[%while3A_579, %dma_start3A_624] : memref<64x64xf32, #tpu.memory_space<vmem>> -> memref<1x64xf32, #tpu.memory_space<vmem>>
        %dma_start3A_626 = arith.constant 0 : i32
        %dma_start3A_627 = tpu.memref_slice %arg5[%squeeze3A_583, %dma_start3A_626] : memref<16384x64xf32, #tpu.memory_space<hbm>> -> memref<1x64xf32, #tpu.memory_space<hbm>>
        %dma_start3A_628 = arith.constant 0 : i32
        %dma_start3A_629 = tpu.memref_slice %arg5[%squeeze3A_583, %dma_start3A_628] : memref<16384x64xf32, #tpu.memory_space<hbm>> -> memref<1x64xf32, #tpu.memory_space<hbm>>
        %dma_start3A_630 = arith.constant 0 : i32
        %dma_start3A_631 = tpu.memref_slice %arg13[%while3A_579, %dma_start3A_630] : memref<64x64xf32, #tpu.memory_space<vmem>> -> memref<1x64xf32, #tpu.memory_space<vmem>>
        tpu.enqueue_dma source(%dma_start3A_631 : memref<1x64xf32, #tpu.memory_space<vmem>>) target(%dma_start3A_629 : memref<1x64xf32, #tpu.memory_space<hbm>>) target_semaphore(%arg16 : memref<!tpu.dma_semaphore, #tpu.memory_space<semaphore_mem>>)
        %add3A_632 = arith.constant 1 : i32
        %add3A_633 = arith.addi %while3A_579, %add3A_632 : i32
        %ge3A = arith.constant 64 : i32
        %ge3A_634 = arith.cmpi sge, %add3A_633, %ge3A : i32
        %convert_element_type3A = arith.extui %ge3A_634 : i1 to i32
        %cond3A = arith.constant 0 : i32
        %cond3A_635 = arith.cmpi ne, %convert_element_type3A, %cond3A : i32
        %cond3A_636 = scf.if %cond3A_635 -> (i32) {
          %dma_wait3A_637 = arith.constant 0 : i32
          %dma_wait3A_638 = arith.constant 0 : i32
          %dma_wait3A_639 = tpu.memref_slice %arg5[%dma_wait3A_637, %dma_wait3A_638] : memref<16384x64xf32, #tpu.memory_space<hbm>> -> memref<64x64xf32, #tpu.memory_space<hbm>>
          %dma_wait3A_640 = arith.constant 0 : i32
          %dma_wait3A_641 = arith.constant 0 : i32
          %dma_wait3A_642 = tpu.memref_slice %arg5[%dma_wait3A_640, %dma_wait3A_641] : memref<16384x64xf32, #tpu.memory_space<hbm>> -> memref<64x64xf32, #tpu.memory_space<hbm>>
          tpu.wait_dma2 semaphore(%arg16 : memref<!tpu.dma_semaphore, #tpu.memory_space<semaphore_mem>>) src(%dma_wait3A_642 : memref<64x64xf32, #tpu.memory_space<hbm>>) dst(%arg13 : memref<64x64xf32, #tpu.memory_space<vmem>>)
          %cond3A_643 = arith.constant 0 : i32
          scf.yield %cond3A_643 : i32
        } else {
          scf.yield %add3A_633 : i32
        }
        scf.yield %cond3A_636 : i32
      }
      %add3A_486 = arith.constant 3 : i32
      %add3A_487 = arith.addi %mul3A_291, %add3A_486 : i32
      %mul3A_488 = arith.constant 245 : i32
      %mul3A_489 = arith.muli %add3A, %mul3A_488 : i32
      %mul3A_490 = arith.constant 4 : i32
      %mul3A_491 = arith.muli %add3A_487, %mul3A_490 : i32
      %add3A_492 = arith.addi %mul3A_489, %mul3A_491 : i32
      %min3A_493 = arith.constant 7808 : i32
      %min3A_494 = arith.minsi %add3A_492, %min3A_493 : i32
      %mul3A_495 = arith.constant 128 : i32
      %mul3A_496 = arith.muli %min3A_494, %mul3A_495 : i32
      %multiple_of3A_497 = tpu.assume_multiple %mul3A_496, 128 : i32
      %dma_start3A_498 = arith.constant 0 : i32
      %dma_start3A_499 = arith.constant 0 : i32
      %dma_start3A_500 = tpu.memref_slice %arg11[%dma_start3A_498, %dma_start3A_499] : memref<64x512xf32, #tpu.memory_space<vmem>> -> memref<8x512xf32, #tpu.memory_space<vmem>>
      %dma_start3A_501 = arith.constant 0 : i32
      %dma_start3A_502 = tpu.memref_slice %arg2[%dma_start3A_501, %multiple_of3A_497] : memref<64x1000000xf32, #tpu.memory_space<hbm>> -> memref<8x512xf32, #tpu.memory_space<hbm>>
      %dma_start3A_503 = arith.constant 0 : i32
      %dma_start3A_504 = arith.constant 0 : i32
      %dma_start3A_505 = tpu.memref_slice %arg11[%dma_start3A_503, %dma_start3A_504] : memref<64x512xf32, #tpu.memory_space<vmem>> -> memref<8x512xf32, #tpu.memory_space<vmem>>
      %dma_start3A_506 = arith.constant 0 : i32
      %dma_start3A_507 = tpu.memref_slice %arg2[%dma_start3A_506, %multiple_of3A_497] : memref<64x1000000xf32, #tpu.memory_space<hbm>> -> memref<8x512xf32, #tpu.memory_space<hbm>>
      tpu.enqueue_dma source(%dma_start3A_507 : memref<8x512xf32, #tpu.memory_space<hbm>>) target(%dma_start3A_505 : memref<8x512xf32, #tpu.memory_space<vmem>>) target_semaphore(%arg15 : memref<!tpu.dma_semaphore, #tpu.memory_space<semaphore_mem>>)
      %dma_start3A_508 = arith.constant 8 : i32
      %dma_start3A_509 = arith.constant 0 : i32
      %dma_start3A_510 = tpu.memref_slice %arg11[%dma_start3A_508, %dma_start3A_509] : memref<64x512xf32, #tpu.memory_space<vmem>> -> memref<8x512xf32, #tpu.memory_space<vmem>>
      %dma_start3A_511 = arith.constant 8 : i32
      %dma_start3A_512 = tpu.memref_slice %arg2[%dma_start3A_511, %multiple_of3A_497] : memref<64x1000000xf32, #tpu.memory_space<hbm>> -> memref<8x512xf32, #tpu.memory_space<hbm>>
      %dma_start3A_513 = arith.constant 8 : i32
      %dma_start3A_514 = arith.constant 0 : i32
      %dma_start3A_515 = tpu.memref_slice %arg11[%dma_start3A_513, %dma_start3A_514] : memref<64x512xf32, #tpu.memory_space<vmem>> -> memref<8x512xf32, #tpu.memory_space<vmem>>
      %dma_start3A_516 = arith.constant 8 : i32
      %dma_start3A_517 = tpu.memref_slice %arg2[%dma_start3A_516, %multiple_of3A_497] : memref<64x1000000xf32, #tpu.memory_space<hbm>> -> memref<8x512xf32, #tpu.memory_space<hbm>>
      tpu.enqueue_dma source(%dma_start3A_517 : memref<8x512xf32, #tpu.memory_space<hbm>>) target(%dma_start3A_515 : memref<8x512xf32, #tpu.memory_space<vmem>>) target_semaphore(%arg15 : memref<!tpu.dma_semaphore, #tpu.memory_space<semaphore_mem>>)
      %dma_start3A_518 = arith.constant 16 : i32
      %dma_start3A_519 = arith.constant 0 : i32
      %dma_start3A_520 = tpu.memref_slice %arg11[%dma_start3A_518, %dma_start3A_519] : memref<64x512xf32, #tpu.memory_space<vmem>> -> memref<8x512xf32, #tpu.memory_space<vmem>>
      %dma_start3A_521 = arith.constant 16 : i32
      %dma_start3A_522 = tpu.memref_slice %arg2[%dma_start3A_521, %multiple_of3A_497] : memref<64x1000000xf32, #tpu.memory_space<hbm>> -> memref<8x512xf32, #tpu.memory_space<hbm>>
      %dma_start3A_523 = arith.constant 16 : i32
      %dma_start3A_524 = arith.constant 0 : i32
      %dma_start3A_525 = tpu.memref_slice %arg11[%dma_start3A_523, %dma_start3A_524] : memref<64x512xf32, #tpu.memory_space<vmem>> -> memref<8x512xf32, #tpu.memory_space<vmem>>
      %dma_start3A_526 = arith.constant 16 : i32
      %dma_start3A_527 = tpu.memref_slice %arg2[%dma_start3A_526, %multiple_of3A_497] : memref<64x1000000xf32, #tpu.memory_space<hbm>> -> memref<8x512xf32, #tpu.memory_space<hbm>>
      tpu.enqueue_dma source(%dma_start3A_527 : memref<8x512xf32, #tpu.memory_space<hbm>>) target(%dma_start3A_525 : memref<8x512xf32, #tpu.memory_space<vmem>>) target_semaphore(%arg15 : memref<!tpu.dma_semaphore, #tpu.memory_space<semaphore_mem>>)
      %dma_start3A_528 = arith.constant 24 : i32
      %dma_start3A_529 = arith.constant 0 : i32
      %dma_start3A_530 = tpu.memref_slice %arg11[%dma_start3A_528, %dma_start3A_529] : memref<64x512xf32, #tpu.memory_space<vmem>> -> memref<8x512xf32, #tpu.memory_space<vmem>>
      %dma_start3A_531 = arith.constant 24 : i32
      %dma_start3A_532 = tpu.memref_slice %arg2[%dma_start3A_531, %multiple_of3A_497] : memref<64x1000000xf32, #tpu.memory_space<hbm>> -> memref<8x512xf32, #tpu.memory_space<hbm>>
      %dma_start3A_533 = arith.constant 24 : i32
      %dma_start3A_534 = arith.constant 0 : i32
      %dma_start3A_535 = tpu.memref_slice %arg11[%dma_start3A_533, %dma_start3A_534] : memref<64x512xf32, #tpu.memory_space<vmem>> -> memref<8x512xf32, #tpu.memory_space<vmem>>
      %dma_start3A_536 = arith.constant 24 : i32
      %dma_start3A_537 = tpu.memref_slice %arg2[%dma_start3A_536, %multiple_of3A_497] : memref<64x1000000xf32, #tpu.memory_space<hbm>> -> memref<8x512xf32, #tpu.memory_space<hbm>>
      tpu.enqueue_dma source(%dma_start3A_537 : memref<8x512xf32, #tpu.memory_space<hbm>>) target(%dma_start3A_535 : memref<8x512xf32, #tpu.memory_space<vmem>>) target_semaphore(%arg15 : memref<!tpu.dma_semaphore, #tpu.memory_space<semaphore_mem>>)
      %dma_start3A_538 = arith.constant 32 : i32
      %dma_start3A_539 = arith.constant 0 : i32
      %dma_start3A_540 = tpu.memref_slice %arg11[%dma_start3A_538, %dma_start3A_539] : memref<64x512xf32, #tpu.memory_space<vmem>> -> memref<8x512xf32, #tpu.memory_space<vmem>>
      %dma_start3A_541 = arith.constant 32 : i32
      %dma_start3A_542 = tpu.memref_slice %arg2[%dma_start3A_541, %multiple_of3A_497] : memref<64x1000000xf32, #tpu.memory_space<hbm>> -> memref<8x512xf32, #tpu.memory_space<hbm>>
      %dma_start3A_543 = arith.constant 32 : i32
      %dma_start3A_544 = arith.constant 0 : i32
      %dma_start3A_545 = tpu.memref_slice %arg11[%dma_start3A_543, %dma_start3A_544] : memref<64x512xf32, #tpu.memory_space<vmem>> -> memref<8x512xf32, #tpu.memory_space<vmem>>
      %dma_start3A_546 = arith.constant 32 : i32
      %dma_start3A_547 = tpu.memref_slice %arg2[%dma_start3A_546, %multiple_of3A_497] : memref<64x1000000xf32, #tpu.memory_space<hbm>> -> memref<8x512xf32, #tpu.memory_space<hbm>>
      tpu.enqueue_dma source(%dma_start3A_547 : memref<8x512xf32, #tpu.memory_space<hbm>>) target(%dma_start3A_545 : memref<8x512xf32, #tpu.memory_space<vmem>>) target_semaphore(%arg15 : memref<!tpu.dma_semaphore, #tpu.memory_space<semaphore_mem>>)
      %dma_start3A_548 = arith.constant 40 : i32
      %dma_start3A_549 = arith.constant 0 : i32
      %dma_start3A_550 = tpu.memref_slice %arg11[%dma_start3A_548, %dma_start3A_549] : memref<64x512xf32, #tpu.memory_space<vmem>> -> memref<8x512xf32, #tpu.memory_space<vmem>>
      %dma_start3A_551 = arith.constant 40 : i32
      %dma_start3A_552 = tpu.memref_slice %arg2[%dma_start3A_551, %multiple_of3A_497] : memref<64x1000000xf32, #tpu.memory_space<hbm>> -> memref<8x512xf32, #tpu.memory_space<hbm>>
      %dma_start3A_553 = arith.constant 40 : i32
      %dma_start3A_554 = arith.constant 0 : i32
      %dma_start3A_555 = tpu.memref_slice %arg11[%dma_start3A_553, %dma_start3A_554] : memref<64x512xf32, #tpu.memory_space<vmem>> -> memref<8x512xf32, #tpu.memory_space<vmem>>
      %dma_start3A_556 = arith.constant 40 : i32
      %dma_start3A_557 = tpu.memref_slice %arg2[%dma_start3A_556, %multiple_of3A_497] : memref<64x1000000xf32, #tpu.memory_space<hbm>> -> memref<8x512xf32, #tpu.memory_space<hbm>>
      tpu.enqueue_dma source(%dma_start3A_557 : memref<8x512xf32, #tpu.memory_space<hbm>>) target(%dma_start3A_555 : memref<8x512xf32, #tpu.memory_space<vmem>>) target_semaphore(%arg15 : memref<!tpu.dma_semaphore, #tpu.memory_space<semaphore_mem>>)
      %dma_start3A_558 = arith.constant 48 : i32
      %dma_start3A_559 = arith.constant 0 : i32
      %dma_start3A_560 = tpu.memref_slice %arg11[%dma_start3A_558, %dma_start3A_559] : memref<64x512xf32, #tpu.memory_space<vmem>> -> memref<8x512xf32, #tpu.memory_space<vmem>>
      %dma_start3A_561 = arith.constant 48 : i32
      %dma_start3A_562 = tpu.memref_slice %arg2[%dma_start3A_561, %multiple_of3A_497] : memref<64x1000000xf32, #tpu.memory_space<hbm>> -> memref<8x512xf32, #tpu.memory_space<hbm>>
      %dma_start3A_563 = arith.constant 48 : i32
      %dma_start3A_564 = arith.constant 0 : i32
      %dma_start3A_565 = tpu.memref_slice %arg11[%dma_start3A_563, %dma_start3A_564] : memref<64x512xf32, #tpu.memory_space<vmem>> -> memref<8x512xf32, #tpu.memory_space<vmem>>
      %dma_start3A_566 = arith.constant 48 : i32
      %dma_start3A_567 = tpu.memref_slice %arg2[%dma_start3A_566, %multiple_of3A_497] : memref<64x1000000xf32, #tpu.memory_space<hbm>> -> memref<8x512xf32, #tpu.memory_space<hbm>>
      tpu.enqueue_dma source(%dma_start3A_567 : memref<8x512xf32, #tpu.memory_space<hbm>>) target(%dma_start3A_565 : memref<8x512xf32, #tpu.memory_space<vmem>>) target_semaphore(%arg15 : memref<!tpu.dma_semaphore, #tpu.memory_space<semaphore_mem>>)
      %dma_start3A_568 = arith.constant 56 : i32
      %dma_start3A_569 = arith.constant 0 : i32
      %dma_start3A_570 = tpu.memref_slice %arg11[%dma_start3A_568, %dma_start3A_569] : memref<64x512xf32, #tpu.memory_space<vmem>> -> memref<8x512xf32, #tpu.memory_space<vmem>>
      %dma_start3A_571 = arith.constant 56 : i32
      %dma_start3A_572 = tpu.memref_slice %arg2[%dma_start3A_571, %multiple_of3A_497] : memref<64x1000000xf32, #tpu.memory_space<hbm>> -> memref<8x512xf32, #tpu.memory_space<hbm>>
      %dma_start3A_573 = arith.constant 56 : i32
      %dma_start3A_574 = arith.constant 0 : i32
      %dma_start3A_575 = tpu.memref_slice %arg11[%dma_start3A_573, %dma_start3A_574] : memref<64x512xf32, #tpu.memory_space<vmem>> -> memref<8x512xf32, #tpu.memory_space<vmem>>
      %dma_start3A_576 = arith.constant 56 : i32
      %dma_start3A_577 = tpu.memref_slice %arg2[%dma_start3A_576, %multiple_of3A_497] : memref<64x1000000xf32, #tpu.memory_space<hbm>> -> memref<8x512xf32, #tpu.memory_space<hbm>>
      tpu.enqueue_dma source(%dma_start3A_577 : memref<8x512xf32, #tpu.memory_space<hbm>>) target(%dma_start3A_575 : memref<8x512xf32, #tpu.memory_space<vmem>>) target_semaphore(%arg15 : memref<!tpu.dma_semaphore, #tpu.memory_space<semaphore_mem>>)
      scf.yield %while3A_485 : i32
    }
    %scan3A_234 = arith.constant 31 : i32
    %mul3A_235 = arith.constant 245 : i32
    %mul3A_236 = arith.muli %add3A, %mul3A_235 : i32
    %add3A_237 = arith.constant 248 : i32
    %add3A_238 = arith.addi %mul3A_236, %add3A_237 : i32
    %min3A_239 = arith.constant 7808 : i32
    %min3A_240 = arith.minsi %add3A_238, %min3A_239 : i32
    %mul3A_241 = arith.constant 128 : i32
    %mul3A_242 = arith.muli %min3A_240, %mul3A_241 : i32
    %multiple_of3A_243 = tpu.assume_multiple %mul3A_242, 128 : i32
    %dma_wait3A = arith.constant 0 : i32
    %dma_wait3A_244 = tpu.memref_slice %arg2[%dma_wait3A, %multiple_of3A_243] : memref<64x1000000xf32, #tpu.memory_space<hbm>> -> memref<64x512xf32, #tpu.memory_space<hbm>>
    %dma_wait3A_245 = arith.constant 0 : i32
    %dma_wait3A_246 = tpu.memref_slice %arg2[%dma_wait3A_245, %multiple_of3A_243] : memref<64x1000000xf32, #tpu.memory_space<hbm>> -> memref<64x512xf32, #tpu.memory_space<hbm>>
    tpu.wait_dma2 semaphore(%arg14 : memref<!tpu.dma_semaphore, #tpu.memory_space<semaphore_mem>>) src(%dma_wait3A_246 : memref<64x512xf32, #tpu.memory_space<hbm>>) dst(%arg10 : memref<64x512xf32, #tpu.memory_space<vmem>>)
    %mul3A_247 = arith.constant 245 : i32
    %mul3A_248 = arith.muli %add3A, %mul3A_247 : i32
    %add3A_249 = arith.constant 252 : i32
    %add3A_250 = arith.addi %mul3A_248, %add3A_249 : i32
    %min3A_251 = arith.constant 7808 : i32
    %min3A_252 = arith.minsi %add3A_250, %min3A_251 : i32
    %mul3A_253 = arith.constant 128 : i32
    %mul3A_254 = arith.muli %min3A_252, %mul3A_253 : i32
    %multiple_of3A_255 = tpu.assume_multiple %mul3A_254, 128 : i32
    %dma_wait3A_256 = arith.constant 0 : i32
    %dma_wait3A_257 = tpu.memref_slice %arg2[%dma_wait3A_256, %multiple_of3A_255] : memref<64x1000000xf32, #tpu.memory_space<hbm>> -> memref<64x512xf32, #tpu.memory_space<hbm>>
    %dma_wait3A_258 = arith.constant 0 : i32
    %dma_wait3A_259 = tpu.memref_slice %arg2[%dma_wait3A_258, %multiple_of3A_255] : memref<64x1000000xf32, #tpu.memory_space<hbm>> -> memref<64x512xf32, #tpu.memory_space<hbm>>
    tpu.wait_dma2 semaphore(%arg15 : memref<!tpu.dma_semaphore, #tpu.memory_space<semaphore_mem>>) src(%dma_wait3A_259 : memref<64x512xf32, #tpu.memory_space<hbm>>) dst(%arg11 : memref<64x512xf32, #tpu.memory_space<vmem>>)
    %max3A = arith.constant 61 : i32
    %max3A_260 = arith.constant 0 : i32
    %max3A_261 = arith.maxsi %max3A, %max3A_260 : i32
    %get3A = arith.index_cast %max3A_261 : i32 to index
    %get3A_262 = tpu.vector_load %arg9[%get3A] {strides = array<i32>} : memref<78xi32, #tpu.memory_space<vmem>>, vector<16xi32>,
    %slice3A = vector.extract_strided_slice %get3A_262 {offsets = [0], sizes = [1], strides = [1]} : vector<16xi32> to vector<1xi32>
    %squeeze3A = vector.extract %slice3A[0] : i32 from vector<1xi32>
    %jit3A = arith.constant true
    %jit3A_263 = arith.constant 0 : i32
    %select_n3A = arith.select %jit3A, %squeeze3A, %jit3A_263 : i32
    %get3A_264 = arith.constant 62 : index
    %get3A_265 = tpu.vector_load %arg9[%get3A_264] {strides = array<i32>} : memref<78xi32, #tpu.memory_space<vmem>>, vector<16xi32>,
    %slice3A_266 = vector.extract_strided_slice %get3A_265 {offsets = [0], sizes = [1], strides = [1]} : vector<16xi32> to vector<1xi32>
    %squeeze3A_267 = vector.extract %slice3A_266[0] : i32 from vector<1xi32>
    %while3A_268 = arith.subi %squeeze3A_267, %select_n3A : i32
    %while3A_269 = arith.addi %select_n3A, %while3A_268 : i32
    %while3A_270 = arith.constant 1 : i32
    %while3A_271 = arith.divsi %while3A_268, %while3A_270 : i32
    %while3A_272 = arith.muli %while3A_271, %while3A_270 : i32
    %while3A_273 = arith.addi %select_n3A, %while3A_272 : i32
    %while3A_274 = arith.constant 1 : i32
    %while3A_275 = scf.for %while3A_288 = %select_n3A to %while3A_273 step %while3A_274 iter_args(%while3A_289 = %scan3A_233) -> (i32)  : i32 {
      %get3A_290 = arith.index_cast %while3A_288 : i32 to index
      %get3A_291 = tpu.vector_load %arg8[%get3A_290] {strides = array<i32>} : memref<16400xi32, #tpu.memory_space<vmem>>, vector<16xi32>,
      %slice3A_292 = vector.extract_strided_slice %get3A_291 {offsets = [0], sizes = [1], strides = [1]} : vector<16xi32> to vector<1xi32>
      %squeeze3A_293 = vector.extract %slice3A_292[0] : i32 from vector<1xi32>
      %get3A_294 = arith.index_cast %squeeze3A_293 : i32 to index
      %get3A_295 = tpu.vector_load %arg6[%get3A_294] {strides = array<i32>} : memref<16400xi32, #tpu.memory_space<vmem>>, vector<16xi32>,
      %slice3A_296 = vector.extract_strided_slice %get3A_295 {offsets = [0], sizes = [1], strides = [1]} : vector<16xi32> to vector<1xi32>
      %squeeze3A_297 = vector.extract %slice3A_296[0] : i32 from vector<1xi32>
      %sub3A = arith.constant 999936 : i32
      %sub3A_298 = arith.subi %squeeze3A_297, %sub3A : i32
      %iota3A_299 = tpu.iota {dimensions = array<i32: 0>} : vector<16xi32>
      %add3A_300 = arith.constant 0 : i32
      %add3A_301 = vector.broadcast %add3A_300 : i32 to vector<16xi32>
      %add3A_302 = arith.addi %iota3A_299, %add3A_301 : vector<16xi32>
      %mul3A_303 = arith.constant 64 : i32
      %mul3A_304 = vector.broadcast %mul3A_303 : i32 to vector<16xi32>
      %mul3A_305 = arith.muli %add3A_302, %mul3A_304 : vector<16xi32>
      %add3A_306 = vector.broadcast %sub3A_298 : i32 to vector<16xi32>
      %add3A_307 = arith.addi %mul3A_305, %add3A_306 : vector<16xi32>
      %gather3A = tpu.vector_load_idx %arg12[%add3A_307] : memref<4096xf32, #tpu.memory_space<vmem>>[vector<16xi32>], vector<16xf32>,
      %swap3A_308 = arith.index_cast %while3A_289 : i32 to index
      %swap3A_309 = arith.constant 0 : index
      %swap3A_310 = tpu.vector_load %arg13[%swap3A_308, %swap3A_309] {strides = array<i32>} : memref<64x64xf32, #tpu.memory_space<vmem>>, vector<16xf32>,
      tpu.vector_store %arg13[%swap3A_308, %swap3A_309], %gather3A {strides = array<i32>} : memref<64x64xf32, #tpu.memory_space<vmem>>, vector<16xf32>,
      %iota3A_311 = tpu.iota {dimensions = array<i32: 0>} : vector<16xi32>
      %add3A_312 = arith.constant 16 : i32
      %add3A_313 = vector.broadcast %add3A_312 : i32 to vector<16xi32>
      %add3A_314 = arith.addi %iota3A_311, %add3A_313 : vector<16xi32>
      %mul3A_315 = arith.constant 64 : i32
      %mul3A_316 = vector.broadcast %mul3A_315 : i32 to vector<16xi32>
      %mul3A_317 = arith.muli %add3A_314, %mul3A_316 : vector<16xi32>
      %add3A_318 = vector.broadcast %sub3A_298 : i32 to vector<16xi32>
      %add3A_319 = arith.addi %mul3A_317, %add3A_318 : vector<16xi32>
      %gather3A_320 = tpu.vector_load_idx %arg12[%add3A_319] : memref<4096xf32, #tpu.memory_space<vmem>>[vector<16xi32>], vector<16xf32>,
      %swap3A_321 = arith.index_cast %while3A_289 : i32 to index
      %swap3A_322 = arith.constant 16 : index
      %swap3A_323 = tpu.vector_load %arg13[%swap3A_321, %swap3A_322] {strides = array<i32>} : memref<64x64xf32, #tpu.memory_space<vmem>>, vector<16xf32>,
      tpu.vector_store %arg13[%swap3A_321, %swap3A_322], %gather3A_320 {strides = array<i32>} : memref<64x64xf32, #tpu.memory_space<vmem>>, vector<16xf32>,
      %iota3A_324 = tpu.iota {dimensions = array<i32: 0>} : vector<16xi32>
      %add3A_325 = arith.constant 32 : i32
      %add3A_326 = vector.broadcast %add3A_325 : i32 to vector<16xi32>
      %add3A_327 = arith.addi %iota3A_324, %add3A_326 : vector<16xi32>
      %mul3A_328 = arith.constant 64 : i32
      %mul3A_329 = vector.broadcast %mul3A_328 : i32 to vector<16xi32>
      %mul3A_330 = arith.muli %add3A_327, %mul3A_329 : vector<16xi32>
      %add3A_331 = vector.broadcast %sub3A_298 : i32 to vector<16xi32>
      %add3A_332 = arith.addi %mul3A_330, %add3A_331 : vector<16xi32>
      %gather3A_333 = tpu.vector_load_idx %arg12[%add3A_332] : memref<4096xf32, #tpu.memory_space<vmem>>[vector<16xi32>], vector<16xf32>,
      %swap3A_334 = arith.index_cast %while3A_289 : i32 to index
      %swap3A_335 = arith.constant 32 : index
      %swap3A_336 = tpu.vector_load %arg13[%swap3A_334, %swap3A_335] {strides = array<i32>} : memref<64x64xf32, #tpu.memory_space<vmem>>, vector<16xf32>,
      tpu.vector_store %arg13[%swap3A_334, %swap3A_335], %gather3A_333 {strides = array<i32>} : memref<64x64xf32, #tpu.memory_space<vmem>>, vector<16xf32>,
      %iota3A_337 = tpu.iota {dimensions = array<i32: 0>} : vector<16xi32>
      %add3A_338 = arith.constant 48 : i32
      %add3A_339 = vector.broadcast %add3A_338 : i32 to vector<16xi32>
      %add3A_340 = arith.addi %iota3A_337, %add3A_339 : vector<16xi32>
      %mul3A_341 = arith.constant 64 : i32
      %mul3A_342 = vector.broadcast %mul3A_341 : i32 to vector<16xi32>
      %mul3A_343 = arith.muli %add3A_340, %mul3A_342 : vector<16xi32>
      %add3A_344 = vector.broadcast %sub3A_298 : i32 to vector<16xi32>
      %add3A_345 = arith.addi %mul3A_343, %add3A_344 : vector<16xi32>
      %gather3A_346 = tpu.vector_load_idx %arg12[%add3A_345] : memref<4096xf32, #tpu.memory_space<vmem>>[vector<16xi32>], vector<16xf32>,
      %swap3A_347 = arith.index_cast %while3A_289 : i32 to index
      %swap3A_348 = arith.constant 48 : index
      %swap3A_349 = tpu.vector_load %arg13[%swap3A_347, %swap3A_348] {strides = array<i32>} : memref<64x64xf32, #tpu.memory_space<vmem>>, vector<16xf32>,
      tpu.vector_store %arg13[%swap3A_347, %swap3A_348], %gather3A_346 {strides = array<i32>} : memref<64x64xf32, #tpu.memory_space<vmem>>, vector<16xf32>,
      %dma_start3A_350 = arith.constant 0 : i32
      %dma_start3A_351 = tpu.memref_slice %arg13[%while3A_289, %dma_start3A_350] : memref<64x64xf32, #tpu.memory_space<vmem>> -> memref<1x64xf32, #tpu.memory_space<vmem>>
      %dma_start3A_352 = arith.constant 0 : i32
      %dma_start3A_353 = tpu.memref_slice %arg5[%squeeze3A_293, %dma_start3A_352] : memref<16384x64xf32, #tpu.memory_space<hbm>> -> memref<1x64xf32, #tpu.memory_space<hbm>>
      %dma_start3A_354 = arith.constant 0 : i32
      %dma_start3A_355 = tpu.memref_slice %arg5[%squeeze3A_293, %dma_start3A_354] : memref<16384x64xf32, #tpu.memory_space<hbm>> -> memref<1x64xf32, #tpu.memory_space<hbm>>
      %dma_start3A_356 = arith.constant 0 : i32
      %dma_start3A_357 = tpu.memref_slice %arg13[%while3A_289, %dma_start3A_356] : memref<64x64xf32, #tpu.memory_space<vmem>> -> memref<1x64xf32, #tpu.memory_space<vmem>>
      tpu.enqueue_dma source(%dma_start3A_357 : memref<1x64xf32, #tpu.memory_space<vmem>>) target(%dma_start3A_355 : memref<1x64xf32, #tpu.memory_space<hbm>>) target_semaphore(%arg16 : memref<!tpu.dma_semaphore, #tpu.memory_space<semaphore_mem>>)
      %add3A_358 = arith.constant 1 : i32
      %add3A_359 = arith.addi %while3A_289, %add3A_358 : i32
      %ge3A = arith.constant 64 : i32
      %ge3A_360 = arith.cmpi sge, %add3A_359, %ge3A : i32
      %convert_element_type3A = arith.extui %ge3A_360 : i1 to i32
      %cond3A = arith.constant 0 : i32
      %cond3A_361 = arith.cmpi ne, %convert_element_type3A, %cond3A : i32
      %cond3A_362 = scf.if %cond3A_361 -> (i32) {
        %dma_wait3A_363 = arith.constant 0 : i32
        %dma_wait3A_364 = arith.constant 0 : i32
        %dma_wait3A_365 = tpu.memref_slice %arg5[%dma_wait3A_363, %dma_wait3A_364] : memref<16384x64xf32, #tpu.memory_space<hbm>> -> memref<64x64xf32, #tpu.memory_space<hbm>>
        %dma_wait3A_366 = arith.constant 0 : i32
        %dma_wait3A_367 = arith.constant 0 : i32
        %dma_wait3A_368 = tpu.memref_slice %arg5[%dma_wait3A_366, %dma_wait3A_367] : memref<16384x64xf32, #tpu.memory_space<hbm>> -> memref<64x64xf32, #tpu.memory_space<hbm>>
        tpu.wait_dma2 semaphore(%arg16 : memref<!tpu.dma_semaphore, #tpu.memory_space<semaphore_mem>>) src(%dma_wait3A_368 : memref<64x64xf32, #tpu.memory_space<hbm>>) dst(%arg13 : memref<64x64xf32, #tpu.memory_space<vmem>>)
        %cond3A_369 = arith.constant 0 : i32
        scf.yield %cond3A_369 : i32
      } else {
        scf.yield %add3A_359 : i32
      }
      scf.yield %cond3A_362 : i32
    }
    %while3A_276 = arith.constant 1 : i32
    %while3A_277 = scf.for %while3A_288 = %while3A_273 to %while3A_269 step %while3A_276 iter_args(%while3A_289 = %while3A_275) -> (i32)  : i32 {
      %get3A_290 = arith.index_cast %while3A_288 : i32 to index
      %get3A_291 = tpu.vector_load %arg8[%get3A_290] {strides = array<i32>} : memref<16400xi32, #tpu.memory_space<vmem>>, vector<16xi32>,
      %slice3A_292 = vector.extract_strided_slice %get3A_291 {offsets = [0], sizes = [1], strides = [1]} : vector<16xi32> to vector<1xi32>
      %squeeze3A_293 = vector.extract %slice3A_292[0] : i32 from vector<1xi32>
      %get3A_294 = arith.index_cast %squeeze3A_293 : i32 to index
      %get3A_295 = tpu.vector_load %arg6[%get3A_294] {strides = array<i32>} : memref<16400xi32, #tpu.memory_space<vmem>>, vector<16xi32>,
      %slice3A_296 = vector.extract_strided_slice %get3A_295 {offsets = [0], sizes = [1], strides = [1]} : vector<16xi32> to vector<1xi32>
      %squeeze3A_297 = vector.extract %slice3A_296[0] : i32 from vector<1xi32>
      %sub3A = arith.constant 999936 : i32
      %sub3A_298 = arith.subi %squeeze3A_297, %sub3A : i32
      %iota3A_299 = tpu.iota {dimensions = array<i32: 0>} : vector<16xi32>
      %add3A_300 = arith.constant 0 : i32
      %add3A_301 = vector.broadcast %add3A_300 : i32 to vector<16xi32>
      %add3A_302 = arith.addi %iota3A_299, %add3A_301 : vector<16xi32>
      %mul3A_303 = arith.constant 64 : i32
      %mul3A_304 = vector.broadcast %mul3A_303 : i32 to vector<16xi32>
      %mul3A_305 = arith.muli %add3A_302, %mul3A_304 : vector<16xi32>
      %add3A_306 = vector.broadcast %sub3A_298 : i32 to vector<16xi32>
      %add3A_307 = arith.addi %mul3A_305, %add3A_306 : vector<16xi32>
      %gather3A = tpu.vector_load_idx %arg12[%add3A_307] : memref<4096xf32, #tpu.memory_space<vmem>>[vector<16xi32>], vector<16xf32>,
      %swap3A_308 = arith.index_cast %while3A_289 : i32 to index
      %swap3A_309 = arith.constant 0 : index
      %swap3A_310 = tpu.vector_load %arg13[%swap3A_308, %swap3A_309] {strides = array<i32>} : memref<64x64xf32, #tpu.memory_space<vmem>>, vector<16xf32>,
      tpu.vector_store %arg13[%swap3A_308, %swap3A_309], %gather3A {strides = array<i32>} : memref<64x64xf32, #tpu.memory_space<vmem>>, vector<16xf32>,
      %iota3A_311 = tpu.iota {dimensions = array<i32: 0>} : vector<16xi32>
      %add3A_312 = arith.constant 16 : i32
      %add3A_313 = vector.broadcast %add3A_312 : i32 to vector<16xi32>
      %add3A_314 = arith.addi %iota3A_311, %add3A_313 : vector<16xi32>
      %mul3A_315 = arith.constant 64 : i32
      %mul3A_316 = vector.broadcast %mul3A_315 : i32 to vector<16xi32>
      %mul3A_317 = arith.muli %add3A_314, %mul3A_316 : vector<16xi32>
      %add3A_318 = vector.broadcast %sub3A_298 : i32 to vector<16xi32>
      %add3A_319 = arith.addi %mul3A_317, %add3A_318 : vector<16xi32>
      %gather3A_320 = tpu.vector_load_idx %arg12[%add3A_319] : memref<4096xf32, #tpu.memory_space<vmem>>[vector<16xi32>], vector<16xf32>,
      %swap3A_321 = arith.index_cast %while3A_289 : i32 to index
      %swap3A_322 = arith.constant 16 : index
      %swap3A_323 = tpu.vector_load %arg13[%swap3A_321, %swap3A_322] {strides = array<i32>} : memref<64x64xf32, #tpu.memory_space<vmem>>, vector<16xf32>,
      tpu.vector_store %arg13[%swap3A_321, %swap3A_322], %gather3A_320 {strides = array<i32>} : memref<64x64xf32, #tpu.memory_space<vmem>>, vector<16xf32>,
      %iota3A_324 = tpu.iota {dimensions = array<i32: 0>} : vector<16xi32>
      %add3A_325 = arith.constant 32 : i32
      %add3A_326 = vector.broadcast %add3A_325 : i32 to vector<16xi32>
      %add3A_327 = arith.addi %iota3A_324, %add3A_326 : vector<16xi32>
      %mul3A_328 = arith.constant 64 : i32
      %mul3A_329 = vector.broadcast %mul3A_328 : i32 to vector<16xi32>
      %mul3A_330 = arith.muli %add3A_327, %mul3A_329 : vector<16xi32>
      %add3A_331 = vector.broadcast %sub3A_298 : i32 to vector<16xi32>
      %add3A_332 = arith.addi %mul3A_330, %add3A_331 : vector<16xi32>
      %gather3A_333 = tpu.vector_load_idx %arg12[%add3A_332] : memref<4096xf32, #tpu.memory_space<vmem>>[vector<16xi32>], vector<16xf32>,
      %swap3A_334 = arith.index_cast %while3A_289 : i32 to index
      %swap3A_335 = arith.constant 32 : index
      %swap3A_336 = tpu.vector_load %arg13[%swap3A_334, %swap3A_335] {strides = array<i32>} : memref<64x64xf32, #tpu.memory_space<vmem>>, vector<16xf32>,
      tpu.vector_store %arg13[%swap3A_334, %swap3A_335], %gather3A_333 {strides = array<i32>} : memref<64x64xf32, #tpu.memory_space<vmem>>, vector<16xf32>,
      %iota3A_337 = tpu.iota {dimensions = array<i32: 0>} : vector<16xi32>
      %add3A_338 = arith.constant 48 : i32
      %add3A_339 = vector.broadcast %add3A_338 : i32 to vector<16xi32>
      %add3A_340 = arith.addi %iota3A_337, %add3A_339 : vector<16xi32>
      %mul3A_341 = arith.constant 64 : i32
      %mul3A_342 = vector.broadcast %mul3A_341 : i32 to vector<16xi32>
      %mul3A_343 = arith.muli %add3A_340, %mul3A_342 : vector<16xi32>
      %add3A_344 = vector.broadcast %sub3A_298 : i32 to vector<16xi32>
      %add3A_345 = arith.addi %mul3A_343, %add3A_344 : vector<16xi32>
      %gather3A_346 = tpu.vector_load_idx %arg12[%add3A_345] : memref<4096xf32, #tpu.memory_space<vmem>>[vector<16xi32>], vector<16xf32>,
      %swap3A_347 = arith.index_cast %while3A_289 : i32 to index
      %swap3A_348 = arith.constant 48 : index
      %swap3A_349 = tpu.vector_load %arg13[%swap3A_347, %swap3A_348] {strides = array<i32>} : memref<64x64xf32, #tpu.memory_space<vmem>>, vector<16xf32>,
      tpu.vector_store %arg13[%swap3A_347, %swap3A_348], %gather3A_346 {strides = array<i32>} : memref<64x64xf32, #tpu.memory_space<vmem>>, vector<16xf32>,
      %dma_start3A_350 = arith.constant 0 : i32
      %dma_start3A_351 = tpu.memref_slice %arg13[%while3A_289, %dma_start3A_350] : memref<64x64xf32, #tpu.memory_space<vmem>> -> memref<1x64xf32, #tpu.memory_space<vmem>>
      %dma_start3A_352 = arith.constant 0 : i32
      %dma_start3A_353 = tpu.memref_slice %arg5[%squeeze3A_293, %dma_start3A_352] : memref<16384x64xf32, #tpu.memory_space<hbm>> -> memref<1x64xf32, #tpu.memory_space<hbm>>
      %dma_start3A_354 = arith.constant 0 : i32
      %dma_start3A_355 = tpu.memref_slice %arg5[%squeeze3A_293, %dma_start3A_354] : memref<16384x64xf32, #tpu.memory_space<hbm>> -> memref<1x64xf32, #tpu.memory_space<hbm>>
      %dma_start3A_356 = arith.constant 0 : i32
      %dma_start3A_357 = tpu.memref_slice %arg13[%while3A_289, %dma_start3A_356] : memref<64x64xf32, #tpu.memory_space<vmem>> -> memref<1x64xf32, #tpu.memory_space<vmem>>
      tpu.enqueue_dma source(%dma_start3A_357 : memref<1x64xf32, #tpu.memory_space<vmem>>) target(%dma_start3A_355 : memref<1x64xf32, #tpu.memory_space<hbm>>) target_semaphore(%arg16 : memref<!tpu.dma_semaphore, #tpu.memory_space<semaphore_mem>>)
      %add3A_358 = arith.constant 1 : i32
      %add3A_359 = arith.addi %while3A_289, %add3A_358 : i32
      %ge3A = arith.constant 64 : i32
      %ge3A_360 = arith.cmpi sge, %add3A_359, %ge3A : i32
      %convert_element_type3A = arith.extui %ge3A_360 : i1 to i32
      %cond3A = arith.constant 0 : i32
      %cond3A_361 = arith.cmpi ne, %convert_element_type3A, %cond3A : i32
      %cond3A_362 = scf.if %cond3A_361 -> (i32) {
        %dma_wait3A_363 = arith.constant 0 : i32
        %dma_wait3A_364 = arith.constant 0 : i32
        %dma_wait3A_365 = tpu.memref_slice %arg5[%dma_wait3A_363, %dma_wait3A_364] : memref<16384x64xf32, #tpu.memory_space<hbm>> -> memref<64x64xf32, #tpu.memory_space<hbm>>
        %dma_wait3A_366 = arith.constant 0 : i32
        %dma_wait3A_367 = arith.constant 0 : i32
        %dma_wait3A_368 = tpu.memref_slice %arg5[%dma_wait3A_366, %dma_wait3A_367] : memref<16384x64xf32, #tpu.memory_space<hbm>> -> memref<64x64xf32, #tpu.memory_space<hbm>>
        tpu.wait_dma2 semaphore(%arg16 : memref<!tpu.dma_semaphore, #tpu.memory_space<semaphore_mem>>) src(%dma_wait3A_368 : memref<64x64xf32, #tpu.memory_space<hbm>>) dst(%arg13 : memref<64x64xf32, #tpu.memory_space<vmem>>)
        %cond3A_369 = arith.constant 0 : i32
        scf.yield %cond3A_369 : i32
      } else {
        scf.yield %add3A_359 : i32
      }
      scf.yield %cond3A_362 : i32
    }
    %while3A_278 = arith.constant 0 : i32
    %while3A_279 = arith.constant 0 : i32
    %while3A_280 = arith.subi %while3A_277, %while3A_279 : i32
    %while3A_281 = arith.addi %while3A_279, %while3A_280 : i32
    %while3A_282 = arith.constant 1 : i32
    %while3A_283 = arith.divsi %while3A_280, %while3A_282 : i32
    %while3A_284 = arith.muli %while3A_283, %while3A_282 : i32
    %while3A_285 = arith.addi %while3A_279, %while3A_284 : i32
    %while3A_286 = arith.constant 1 : i32
    scf.for %while3A_288 = %while3A_279 to %while3A_285 step %while3A_286  : i32 {
      %dma_wait3A_289 = arith.constant 0 : i32
      %dma_wait3A_290 = arith.constant 0 : i32
      %dma_wait3A_291 = tpu.memref_slice %arg13[%dma_wait3A_289, %dma_wait3A_290] : memref<64x64xf32, #tpu.memory_space<vmem>> -> memref<1x64xf32, #tpu.memory_space<vmem>>
      %dma_wait3A_292 = arith.constant 0 : i32
      %dma_wait3A_293 = arith.constant 0 : i32
      %dma_wait3A_294 = tpu.memref_slice %arg5[%dma_wait3A_292, %dma_wait3A_293] : memref<16384x64xf32, #tpu.memory_space<hbm>> -> memref<1x64xf32, #tpu.memory_space<hbm>>
      %dma_wait3A_295 = arith.constant 0 : i32
      %dma_wait3A_296 = arith.constant 0 : i32
      %dma_wait3A_297 = tpu.memref_slice %arg13[%dma_wait3A_295, %dma_wait3A_296] : memref<64x64xf32, #tpu.memory_space<vmem>> -> memref<1x64xf32, #tpu.memory_space<vmem>>
      %dma_wait3A_298 = arith.constant 0 : i32
      %dma_wait3A_299 = arith.constant 0 : i32
      %dma_wait3A_300 = tpu.memref_slice %arg5[%dma_wait3A_298, %dma_wait3A_299] : memref<16384x64xf32, #tpu.memory_space<hbm>> -> memref<1x64xf32, #tpu.memory_space<hbm>>
      tpu.wait_dma2 semaphore(%arg16 : memref<!tpu.dma_semaphore, #tpu.memory_space<semaphore_mem>>) src(%dma_wait3A_300 : memref<1x64xf32, #tpu.memory_space<hbm>>) dst(%dma_wait3A_297 : memref<1x64xf32, #tpu.memory_space<vmem>>)
    }
    %while3A_287 = arith.constant 1 : i32
    scf.for %while3A_288 = %while3A_285 to %while3A_281 step %while3A_287  : i32 {
      %dma_wait3A_289 = arith.constant 0 : i32
      %dma_wait3A_290 = arith.constant 0 : i32
      %dma_wait3A_291 = tpu.memref_slice %arg13[%dma_wait3A_289, %dma_wait3A_290] : memref<64x64xf32, #tpu.memory_space<vmem>> -> memref<1x64xf32, #tpu.memory_space<vmem>>
      %dma_wait3A_292 = arith.constant 0 : i32
      %dma_wait3A_293 = arith.constant 0 : i32
      %dma_wait3A_294 = tpu.memref_slice %arg5[%dma_wait3A_292, %dma_wait3A_293] : memref<16384x64xf32, #tpu.memory_space<hbm>> -> memref<1x64xf32, #tpu.memory_space<hbm>>
      %dma_wait3A_295 = arith.constant 0 : i32
      %dma_wait3A_296 = arith.constant 0 : i32
      %dma_wait3A_297 = tpu.memref_slice %arg13[%dma_wait3A_295, %dma_wait3A_296] : memref<64x64xf32, #tpu.memory_space<vmem>> -> memref<1x64xf32, #tpu.memory_space<vmem>>
      %dma_wait3A_298 = arith.constant 0 : i32
      %dma_wait3A_299 = arith.constant 0 : i32
      %dma_wait3A_300 = tpu.memref_slice %arg5[%dma_wait3A_298, %dma_wait3A_299] : memref<16384x64xf32, #tpu.memory_space<hbm>> -> memref<1x64xf32, #tpu.memory_space<hbm>>
      tpu.wait_dma2 semaphore(%arg16 : memref<!tpu.dma_semaphore, #tpu.memory_space<semaphore_mem>>) src(%dma_wait3A_300 : memref<1x64xf32, #tpu.memory_space<hbm>>) dst(%dma_wait3A_297 : memref<1x64xf32, #tpu.memory_space<vmem>>)
    }
    return
  }
}

</mosaic_0001>

<sc_bundles>
// kernel: kernel.3.cloned.1.call-start
scs
__scs_entry_jumppad:
0x0: {  	(pc) =	sbr.rel $0x88, $3  }
0x1: {  	(tag) =	ssettag $0x0;
	lr =	simm.s32 $0x1  }
0x2: {  	[smem:$0x3F9F] =	sst lr;
	_ =	strace $0xD0000000  }
0x3: {  	_ = 	snop  }
0x4: {  	_ = 	snop  }
0x5: {  	_ = 	snop  }
0x6: {  	_ = 	snop  }
0x7: {  	_ = 	snop  }
__scs_overlays_trampoline_lowered:
0x8: {  	[smem:$0x3FAE] =	sst s0  }
0x9: {  	[smem:$0x3FAF] =	sst s1  }
0xa: {  	[smem:$0x3FB0] =	sst s2  }
0xb: {  	[smem:$0x3FB1] =	sst s3  }
0xc: {  	[smem:$0x3FB2] =	sst s4  }
0xd: {  	[smem:$0x3FB3] =	sst s5  }
0xe: {  	[smem:$0x3FB4] =	sst s6  }
0xf: {  	[smem:$0x3FB5] =	sst s7  }
0x10: {  	[smem:$0x3FB6] =	sst s8  }
0x11: {  	[smem:$0x3FB7] =	sst s9;
	s0 =	simm.s32 @!p0 $0x0  }
0x12: {  	s1 =	sld [smem:$0x3F9D];
	s0 =	simm.s32 @p0 $0x1  }
0x13: {  	[smem:$0x3FB8] =	sst s0;
	s0 =	simm.s32 @!p1 $0x0  }
0x14: {  	s2 =	sld [smem:$0x3F9C];
	s0 =	simm.s32 @p1 $0x1  }
0x15: {  	[smem:$0x3FB9] =	sst s0;
	s0 =	simm.s32 @!p2 $0x0  }
0x16: {  	s3 =	sld [smem:$0x3FDB];
	s0 =	simm.s32 @p2 $0x1  }
0x17: {  	s4 =	simm.s32 $0x1BF5;
	[smem:$0x3FBB] =	sst s0  }
0x18: {  	s0 =	sld [smem:$0x3F9E];
	_ =	swait.ge [sflag:s4], $0x0  }
0x19: {  	s7 =	sld [smem:$0x3F9F]  }
0x1a: {  	s8 =	sadd.s32 $0xFFFFE003, lr  }
0x1b: {  	s9 =	sadd.s32 $0xFFFFFEF7, lr;
	s5 =	simm.s32 $0xFFFFFFFF;
	p2 =	slt.u32 s8, $0xFFFFF086  }
0x1c: {  	p1 =	slt.u32 s9, $0xF7A;
	s5 =	simm.s32 @!p2 $0x0  }
0x1d: {  	s5 =	simm.s32 @p1 $0x1;
	p0 =	seq.s32 s7, s2  }
0x1e: {  	s7 =	smul.u32 @!p0 $0xF7A, s2;
	p2 =	seq.s32 @!p0 s5, $0x0  }
0x1f: {  	s9 =	smul.u32 $0xF7A, s1;
	s8 =	simm.s32 @!p0 $0x1BF5;
	p2 =	por !p2, p0  }
0x20: {  	[sflag:s8] =	ssyncset.s32 @!p0 $0xFFFFF086;
	s6 =	sadd.s32 @!p0 s3, s7;
	s7 =	simm.s32 @!p0 $0x108  }
0x21: {  	s3 =	sadd.s32 s3, s9;
	s6 =	sadd.s32 @!p0 $0x88, s6;
	s7 =	simm.s32 @p2 $0x1082  }
0x22: {  	[simem:s7], [sflag:s8] =	dma.local @!p0 [hbm:s6], $0xF7A  }
0x23: {  	s9 =	sor.u32 $0xD0000000, s2;
	s6 =	simm.s32 $0x108;
	_ =	swait.ge @!p0 [sflag:s8], $0x0  }
0x24: {  	s3 =	sadd.s32 $0x88, s3;
	s6 =	simm.s32 @!p1 $0x1082;
	[sflag:s4] =	ssyncset.s32 $0xFFFFF086  }
0x25: {  	[simem:s6], [sflag:s4] =	dma.local [hbm:s3], $0xF7A  }
0x26: {  	[smem:$0x3F9F] =	sst s1;
	(tag) =	ssettag s2;
	_ =	strace s9  }
0x27: {  	s1 =	sld [smem:$0x3FAF]  }
0x28: {  	s2 =	sld [smem:$0x3FB0]  }
0x29: {  	s4 =	sld [smem:$0x3FB2]  }
0x2a: {  	p0 =	seq.s32 s5, $0x0;
	s5 =	sld [smem:$0x3FB3]  }
0x2b: {  	s6 =	sld [smem:$0x3FB4]  }
0x2c: {  	s7 =	sld [smem:$0x3FB5]  }
0x2d: {  	s3 =	simm.s32 $0x108;
	s8 =	sld [smem:$0x3FB6]  }
0x2e: {  	s3 =	simm.s32 @!p0 $0x1082;
	s9 =	sld [smem:$0x3FB7]  }
0x2f: {  	lr =	sadd.s32 s0, s3;
	s0 =	sld [smem:$0x3FAE]  }
0x30: {  	s3 =	sld [smem:$0x3FB1]  }
0x31: {  	[smem:$0x3FBA] =	sst s10  }
0x32: {  	s10 =	sld [smem:$0x3FB8];
	_ =	sdelay $0x3  }
0x33: {  	p0 =	seq.s32 s10, $0x1;
	s10 =	sld [smem:$0x3FBA];
	_ =	sdelay $0x3  }
0x34: {  	[smem:$0x3FBA] =	sst s10  }
0x35: {  	s10 =	sld [smem:$0x3FB9];
	_ =	sdelay $0x3  }
0x36: {  	p1 =	seq.s32 s10, $0x1;
	s10 =	sld [smem:$0x3FBA];
	_ =	sdelay $0x3  }
0x37: {  	[smem:$0x3FBA] =	sst s10  }
0x38: {  	s10 =	sld [smem:$0x3FBB]  }
0x39: {  	_ = 	snop;
	(pc) =	sbr.ind lr, $3  }
0x3a: {  	_ = 	snop  }
0x3b: {  	_ = 	snop  }
0x3c: {  	p2 =	seq.s32 s10, $0x1;
	s10 =	sld [smem:$0x3FBA]  }
0x3d: {  	_ =	shalt  }
0x3e: {  	_ =	shalt  }
0x3f: {  	_ =	shalt  }
0x40: {  	_ =	shalt  }
0x41: {  	_ =	shalt  }
0x42: {  	_ =	shalt  }
0x43: {  	_ =	shalt  }
0x44: {  	_ =	shalt  }
0x45: {  	_ =	shalt  }
0x46: {  	_ =	shalt  }
0x47: {  	_ =	shalt  }
0x48: {  	_ =	shalt  }
0x49: {  	_ =	shalt  }
0x4a: {  	_ =	shalt  }
0x4b: {  	_ =	shalt  }
0x4c: {  	_ =	shalt  }
0x4d: {  	_ =	shalt  }
0x4e: {  	_ =	shalt  }
0x4f: {  	_ =	shalt  }
0x50: {  	_ =	shalt  }
0x51: {  	_ =	shalt  }
0x52: {  	_ =	shalt  }
0x53: {  	_ =	shalt  }
0x54: {  	_ =	shalt  }
0x55: {  	_ =	shalt  }
0x56: {  	_ =	shalt  }
0x57: {  	_ =	shalt  }
0x58: {  	_ =	shalt  }
0x59: {  	_ =	shalt  }
0x5a: {  	_ =	shalt  }
0x5b: {  	_ =	shalt  }
0x5c: {  	_ =	shalt  }
0x5d: {  	_ =	shalt  }
0x5e: {  	_ =	shalt  }
0x5f: {  	_ =	shalt  }
0x60: {  	_ =	shalt  }
0x61: {  	_ =	shalt  }
0x62: {  	_ =	shalt  }
0x63: {  	_ =	shalt  }
0x64: {  	_ =	shalt  }
0x65: {  	_ =	shalt  }
0x66: {  	_ =	shalt  }
0x67: {  	_ =	shalt  }
0x68: {  	_ =	shalt  }
0x69: {  	_ =	shalt  }
0x6a: {  	_ =	shalt  }
0x6b: {  	_ =	shalt  }
0x6c: {  	_ =	shalt  }
0x6d: {  	_ =	shalt  }
0x6e: {  	_ =	shalt  }
0x6f: {  	_ =	shalt  }
0x70: {  	_ =	shalt  }
0x71: {  	_ =	shalt  }
0x72: {  	_ =	shalt  }
0x73: {  	_ =	shalt  }
0x74: {  	_ =	shalt  }
0x75: {  	_ =	shalt  }
0x76: {  	_ =	shalt  }
0x77: {  	_ =	shalt  }
0x78: {  	_ =	shalt  }
0x79: {  	_ =	shalt  }
0x7a: {  	_ =	shalt  }
0x7b: {  	_ =	shalt  }
0x7c: {  	_ =	shalt  }
0x7d: {  	_ =	shalt  }
0x7e: {  	_ =	shalt  }
0x7f: {  	_ =	shalt  }
0x80: {  	_ =	shalt  }
0x81: {  	_ =	shalt  }
0x82: {  	_ =	shalt  }
0x83: {  	_ =	shalt  }
0x84: {  	_ =	shalt  }
0x85: {  	_ =	shalt  }
0x86: {  	_ =	shalt  }
0x87: {  	_ =	shalt  }
.Lfunc_end0:
.L_simem_size_0:
called_computation_lowered:
.L_overlay_start_0:
0x88: {  	s2 =	sld [smem:$0x3FD9]  }
0x89: {  	s3 =	sld [smem:$0x3FFE];
	_ =	sdelay $0x1  }
0x8a: {  	s1 =	srdreg.scid  }
0x8b: {  	s0 =	sand.u32 $0x1, s1  }
0x8c: {  	s17 =	sshll.u32 s0, $0xA;
	s2 =	sadd.s32 s3, s2  }
0x8d: {  	s2 =	sadd.s32 s2, s17  }
0x8e: {  	[smem:$0x3FC6] =	sst s2  }
0x8f: {  	_ = 	snop  }
0x90: {  	s2 =	sld [smem:$0x3FC9]  }
0x91: {  	s18 =	sld [smem:$0x3FC8]  }
0x92: {  	s4 =	sld [smem:$0x3FD0];
	(tm) =	ssettm $0x1  }
0x93: {  	s5 =	sld [smem:$0x3FFB];
	_ =	sdelay $0x3  }
0x94: {  	_ =	strace s5  }
0x95: {  	s5 =	sld [smem:$0x3FFC];
	_ =	sdelay $0x3  }
0x96: {  	_ =	strace s5  }
0x97: {  	s5 =	sld [smem:$0x3FFD];
	_ =	sdelay $0x3  }
0x98: {  	_ =	strace s5  }
0x99: {  	_ =	strace $0x8FFFFFFF  }
0x9a: {  	s19 =	sld [smem:$0x3FDB];
	_ =	sdelay $0x1  }
0x9b: {  	s6 =	simm.s32 $_scs_section_size  }
0x9c: {  	s7 =	simm.s32 $_size__tile_overlayer_lowered;
	s8 =	simm.s32 $_tile_overlayer_lowered  }
0x9d: {  	s22 =	simm.s32 $0x1BFF;
	s21 =	sshll.u32 s8, $0x1;
	s5 =	sadd.s32 s6, s19  }
0x9e: {  	s9 =	simm.s32 $0x0;
	s20 =	sshll.u32 s7, $0x1;
	s7 =	sadd.s32 s21, s5  }
0x9f: {  	[timem:s9], [sflag:s22] =	dma.local [hbm:s7], s20  }
0xa0: {  	_ =	swait.ge [sflag:s22], s20  }
0xa1: {  	s6 =	ssub.s32 $0x0, s20;
	[sflag:s22] =	ssyncset.done $0x0  }
0xa2: {  	[sflag:s22] =	ssyncadd.s32 s6;
	_ =	sdelay $0x1  }
0xa3: {  	s23 =	simm.s32 $0x1B8B  }
0xa4: {  	_ =	swait.ge [sflag:s23], $0x1  }
0xa5: {  	[sflag:s23] =	ssyncset.done $0x0  }
0xa6: {  	s25 =	simm.s32 $0x1B8E;
	s24 =	sld [smem:$0x3FFE];
	[sflag:s23] =	ssyncadd.s32 $0xFFFFFFFF  }
0xa7: {  	s26 =	simm.s32 $execute0_lowered;
	[smem:$0x3FD2] =	sst s25  }
0xa8: {  	s7 =	sshll.u32 s26, $0x1;
	_ =	strace $0x80000046;
	[dreg:$0x1] =	wrdreg $0xFFFFFFFF  }
0xa9: {  	s28 =	simm.s32 $_size_execute0_lowered;
	s5 =	sadd.s32 s5, s7;
	[dreg:$0x0] =	wrdreg $0x0  }
0xaa: {  	s7 =	sshll.u32 s28, $0x1;
	[dreg:$0x2] =	wrdreg s5  }
0xab: {  	[dreg:$0x3] =	wrdreg s7  }
0xac: {  	[dreg:$0x4] =	wrdreg $0xC0  }
0xad: {  	_ =	task [dreg:s9], $0x5FFFF  }
0xae: {  	[dreg:$0x1] =	wrdreg $0xFFFFFFFF  }
0xaf: {  	[dreg:$0x0] =	wrdreg $0x60  }
0xb0: {  	[dreg:$0x2] =	wrdreg s18  }
0xb1: {  	[dreg:$0x3] =	wrdreg s2  }
0xb2: {  	[dreg:$0x4] =	wrdreg s4  }
0xb3: {  	[dreg:$0x5] =	wrdreg s24  }
0xb4: {  	[dreg:$0x6] =	wrdreg $0x9  }
0xb5: {  	_ =	task.clear_ibuf [dreg:s9], $0x7FFFF;
	_ =	strace $0x90000046  }
0xb6: {  	s29 =	simm.s32 $0x9;
	_ =	strace $0x80000048  }
0xb7: {  	_ =	swait.ge [sflag:s29], $0x1  }
0xb8: {  	[sflag:s29] =	ssyncadd.s32 $0xFFFFFFFF  }
0xb9: {  	_ =	strace $0x90000048  }
0xba: {  	_ =	sfence  }
0xbb: {  	s30 =	sld [smem:$0x0];
	_ =	sdelay $0x2  }
0xbc: {  	s31 =	sshll.u32 s1, $0xD;
	s1 =	sshrl.u32 s1, $0x2  }
0xbd: {  	s3 =	sand.u32 $0x4000, s31;
	s1 =	sadd.s32 s1, s30  }
0xbe: {  	s0 =	sor.u32 s3, s0;
	s1 =	sshll.u32 s1, $0x11  }
0xbf: {  	s0 =	sor.u32 s1, s0  }
0xc0: {  	s0 =	sadd.s32 $0x8F2B, s0  }
0xc1: {  	[sflag:s0] =	ssyncadd.remote.s32 $0x1  }
0xc2: {  	_ =	sfence.sel $0xFFFF  }
0xc3: {  	[dreg:$0x0] =	wrdreg $0xFFFFFFFF;
	(pc) =	sbr.abs _section_cstart, $3  }
0xc4: {  	[dreg:$0x1] =	wrdreg $0xFFFFFFFF  }
0xc5: {  	_ =	task.clear_ibuf [dreg:s9], $0x2FFFF;
	_ =	strace $0x9FFFFFFF  }
0xc6: {  	(tm) =	ssettm $0x7FFFFFFF  }
0xc7: {  	_ =	shalt  }
tec
execute0_lowered:
.L_overlay_start_1:
0x0: {  	(tag) =	ssettag $0x1  }
0x1: {  	s0 =	srdreg.scid;
	s2 =	stileid.u32  }
0x2: {  	v0 =	vimm.s32 $0x1380;
	vm14 =	vcmask $0x300;
	vm13 =	vcmask $0x704;
	s0 =	sand.u32 $0x1, s0;
	s2 =	sshll.u32 s2, $0x1  }
0x3: {  	vm12 =	vcmask $0xB08;
	vm11 =	vcmask $0xF0C;
	vm10 =	vcmask $0x1310;
	s2 =	sor.u32 s0, s2  }
0x4: {  	vm8 =	vcmask $0x1714;
	vm6 =	vcmask $0x1B18;
	vm9 =	vcmask $0x1F1C;
	s4 =	smul.u32 $0x7A80, s2  }
0x5: {  	s1 =	rddreg [dreg:$0x0];
	vm7 =	vcmask $0x2320;
	vm5 =	vcmask $0x2724;
	vm4 =	vcmask $0x2B28;
	s6 =	simm.s32 $0x0;
	s5 =	smul.u32 $0x3D400, s2  }
0x6: {  	vm1 =	vcmask $0x2F2C;
	vm2 =	vcmask $0x3330;
	vm3 =	vcmask $0x3734;
	[smem:$0x7FF] =	sst s6;
	s0 =	ssub.s32 $0x2, s0;
	s2 =	smul.u32 $0xF5, s2  }
0x7: {  	s3 =	rddreg [dreg:$0x3];
	vm0 =	vcmask $0x3B38;
	v5 =	vimm.s32 $0x3380;
	v6 =	vimm.s32 $0x5380;
	_ =	strace $0x80000047;
	s19 =	sshrl.u32 s0, $0x1  }
0x8: {  	v7 =	vimm.s32 $0x7380;
	v0 =	vsel vm14, $0x0, v0;
	v5 =	vsel vm14, $0x2000, v5;
	s0 =	ssub.s32 s0, s19;
	s23 =	sadd.s32 s1, s4;
	[dreg:$0xd] =	wrdreg s2  }
0x9: {  	v6 =	vsel vm14, $0x4000, v6;
	v7 =	vsel vm14, $0x6000, v7;
	v0 =	vsel vm13, $0x80, v0;
	s5 =	sshrl.u32 s5, $0x3;
	s0 =	smax.u32 s0, $0x1;
	[dreg:$0x11] =	wrdreg s23  }
0xa: {  	v5 =	vsel vm13, $0x2080, v5;
	v6 =	vsel vm13, $0x4080, v6;
	v7 =	vsel vm13, $0x6080, v7;
	s31 =	sadd.s32 $0x4, s2;
	s5 =	sadd.s32 s1, s5;
	[dreg:$0x16] =	wrdreg s0  }
0xb: {  	v0 =	vsel vm12, $0x100, v0;
	v5 =	vsel vm12, $0x2100, v5;
	v6 =	vsel vm12, $0x4100, v6;
	[dreg:$0x17] =	wrdreg s31;
	s11 =	sadd.s32 $0x1E8500, s5  }
0xc: {  	v7 =	vsel vm12, $0x6100, v7;
	v0 =	vsel vm11, $0x180, v0;
	v5 =	vsel vm11, $0x2180, v5;
	s12 =	sadd.s32 $0x2DC780, s5;
	[dreg:$0x5] =	wrdreg s11  }
0xd: {  	v6 =	vsel vm11, $0x4180, v6;
	v7 =	vsel vm11, $0x6180, v7;
	v0 =	vsel vm10, $0x200, v0;
	s13 =	sadd.s32 $0x3D0A00, s5;
	[dreg:$0x6] =	wrdreg s12  }
0xe: {  	v5 =	vsel vm10, $0x2200, v5;
	v6 =	vsel vm10, $0x4200, v6;
	v7 =	vsel vm10, $0x6200, v7;
	s14 =	sadd.s32 $0x4C4C80, s5;
	[dreg:$0x7] =	wrdreg s13  }
0xf: {  	v0 =	vsel vm8, $0x280, v0;
	v5 =	vsel vm8, $0x2280, v5;
	v6 =	vsel vm8, $0x4280, v6;
	s15 =	sadd.s32 $0x5B8F00, s5;
	[dreg:$0x8] =	wrdreg s14  }
0x10: {  	v7 =	vsel vm8, $0x6280, v7;
	v0 =	vsel vm6, $0x300, v0;
	s16 =	sadd.s32 $0x6AD180, s5;
	v5 =	vsel vm6, $0x2300, v5;
	[dreg:$0x9] =	wrdreg s15  }
0x11: {  	s17 =	sadd.s32 $0x1E8700, s5;
	v6 =	vsel vm6, $0x4300, v6;
	v7 =	vsel vm6, $0x6300, v7;
	v0 =	vsel vm9, $0x380, v0;
	[dreg:$0xa] =	wrdreg s16  }
0x12: {  	s18 =	sadd.s32 $0x2DC980, s5;
	[dreg:$0xb] =	wrdreg s17;
	v5 =	vsel vm9, $0x2380, v5;
	v6 =	vsel vm9, $0x4380, v6;
	v7 =	vsel vm9, $0x6380, v7  }
0x13: {  	s20 =	sadd.s32 $0x3D0C00, s5;
	[dreg:$0xc] =	wrdreg s18;
	v0 =	vsel vm7, $0x1000, v0;
	v5 =	vsel vm7, $0x3000, v5;
	v6 =	vsel vm7, $0x5000, v6  }
0x14: {  	s30 =	simm.s32 $0xC200;
	s21 =	sadd.s32 $0xF4280, s5;
	[dreg:$0xe] =	wrdreg s20;
	v7 =	vsel vm7, $0x7000, v7;
	v0 =	vsel vm5, $0x1080, v0;
	v5 =	vsel vm5, $0x3080, v5  }
0x15: {  	s9 =	simm.s32 $0x14200;
	s22 =	sadd.s32 $0x4C4E80, s5;
	[dreg:$0xf] =	wrdreg s21;
	v6 =	vsel vm5, $0x5080, v6;
	v7 =	vsel vm5, $0x7080, v7;
	v1 =	vsel vm4, $0x1100, v0  }
0x16: {  	s7 =	sadd.s32 $0x7A80, s4;
	s24 =	sadd.s32 $0x200, s5;
	[dreg:$0x10] =	wrdreg s22;
	v0 =	vmov s4;
	v5 =	vsel vm4, $0x3100, v5;
	v6 =	vsel vm4, $0x5100, v6  }
0x17: {  	s10 =	simm.s32 $0x0;
	s25 =	sadd.s32 $0x5B9100, s5;
	[dreg:$0x12] =	wrdreg s24;
	v7 =	vsel vm4, $0x7100, v7;
	v2 =	vsel vm1, $0x1180, v1;
	v1 =	vmov s7  }
0x18: {  	s29 =	sadd.s32 $0xC, s2;
	s26 =	sadd.s32 $0xF4480, s5;
	[dreg:$0x13] =	wrdreg s25;
	v5 =	vsel vm1, $0x3180, v5;
	v6 =	vsel vm1, $0x5180, v6;
	v7 =	vsel vm1, $0x7180, v7  }
0x19: {  	s23 =	simm.s32 $0x1;
	s28 =	sadd.s32 $0x6AD380, s5;
	[dreg:$0x14] =	wrdreg s26;
	v3 =	vsel vm2, $0x1200, v2;
	v2 =	vlaneseq.u32;
	v5 =	vsel vm2, $0x3200, v5  }
.Ltmp0:
0x1a: {  	s14 =	sadd.s32 $0x400, s3;
	[dreg:$0x15] =	wrdreg s28;
	v4 =	vsel vm3, $0x1280, v3;
	v3 =	vimm.s32 $0x0;
	v8 =	vsel vm3, $0x3280, v5;
	(pc) =	sbr.rel .LBB2_1-.Ltmp0, $4  }
0x1b: {  	s26 =	sadd.s32 $0x8, s2;
	s11 =	simm.s32 $0x16200;
	s12 =	simm.s32 $0x17200;
	v5 =	vsel vm2, $0x5200, v6;
	v6 =	vsel vm2, $0x7200, v7;
	v4 =	vsel vm0, $0x1300, v4  }
0x1c: {  	s13 =	simm.s32 $0x18200;
	s15 =	simm.s32 $0x19200;
	s17 =	simm.s32 $0x1A200;
	v7 =	vsel vm3, $0x5280, v5;
	v9 =	vsel vm3, $0x7280, v6;
	v5 =	vmul.u32 $0x40, v2  }
0x1d: {  	s18 =	simm.s32 $0x1B200;
	s20 =	simm.s32 $0x1C200;
	s21 =	simm.s32 $0xC180;
	v6 =	vsel vm0, $0x3300, v8;
	v7 =	vsel vm0, $0x5300, v7;
	v8 =	vsel vm0, $0x7300, v9  }
0x1e: {  	s22 =	simm.s32 $0x8100;
	s24 =	simm.s32 $0x2;
	s25 =	simm.s32 $0x3;
	v9 =	vor.u32 $0x400, v5;
	v10 =	vor.u32 $0x800, v5;
	v11 =	vor.u32 $0xC00, v5  }
.LBB2_28:
0x1f: {  	[sflag:s25] =	ssyncadd.s32 $0xFFFFFF80  }
.LBB2_29:
0x20: {  	s10 =	sadd.s32 $0x1, s10;
	s0 =	rddreg [dreg:$0x16]  }
0x21: {  	p0 =	sne.s32 s10, s0  }
.Ltmp1:
0x22: {  	_ = 	snop;
	(pc) =	sbr.rel @!p0 .LBB2_30-.Ltmp1, $1  }
0x23: {  	_ =	sdelay $0x3  }
.LBB2_1:
0x24: {  	[dreg:$0x18] =	wrdreg s10  }
0x25: {  	s0 =	rddreg [dreg:$0x11]  }
0x26: {  	[tilespmem:s30], [sflag:$0x1] =	stream.linear.gather [hbm4b:s0+s6], $0x1000, $0x38;
	[tilespmem:$0x1F200] =	vst v63  }
0x27: {  	s7 =	rddreg [dreg:$0xf];
	s2 =	simm.s32 $0xD200  }
0x28: {  	[tilespmem:s2], [sflag:$0x1] =	stream.linear.gather [hbm4b:s7+s6], $0x1000, $0x38;
	[tilespmem:$0x1F200] =	vst v63  }
0x29: {  	s8 =	rddreg [dreg:$0x5];
	s10 =	simm.s32 $0xE200  }
0x2a: {  	[tilespmem:s10], [sflag:$0x1] =	stream.linear.gather [hbm4b:s8+s6], $0x1000, $0x38;
	[tilespmem:$0x1F200] =	vst v63  }
0x2b: {  	s16 =	rddreg [dreg:$0x6];
	s19 =	simm.s32 $0xF200  }
0x2c: {  	[tilespmem:s19], [sflag:$0x1] =	stream.linear.gather [hbm4b:s16+s6], $0x1000, $0x38;
	[tilespmem:$0x1F200] =	vst v63  }
0x2d: {  	s28 =	rddreg [dreg:$0x7];
	s31 =	simm.s32 $0x10200  }
0x2e: {  	[tilespmem:s31], [sflag:$0x1] =	stream.linear.gather [hbm4b:s28+s6], $0x1000, $0x38;
	[tilespmem:$0x1F200] =	vst v63  }
0x2f: {  	s3 =	rddreg [dreg:$0x8];
	s5 =	simm.s32 $0x11200  }
0x30: {  	[tilespmem:s5], [sflag:$0x1] =	stream.linear.gather [hbm4b:s3+s6], $0x1000, $0x38;
	[tilespmem:$0x1F200] =	vst v63  }
0x31: {  	s7 =	rddreg [dreg:$0x9];
	s8 =	simm.s32 $0x12200  }
0x32: {  	[tilespmem:s8], [sflag:$0x1] =	stream.linear.gather [hbm4b:s7+s6], $0x1000, $0x38;
	[tilespmem:$0x1F200] =	vst v63  }
0x33: {  	s10 =	rddreg [dreg:$0xa];
	s16 =	simm.s32 $0x13200  }
0x34: {  	[tilespmem:s16], [sflag:$0x1] =	stream.linear.gather [hbm4b:s10+s6], $0x1000, $0x38;
	[tilespmem:$0x1F200] =	vst v63  }
0x35: {  	s19 =	rddreg [dreg:$0x12]  }
0x36: {  	[tilespmem:s9], [sflag:$0x2] =	stream.linear.gather [hbm4b:s19+s6], $0x1000, $0x38;
	[tilespmem:$0x1F200] =	vst v63  }
0x37: {  	s28 =	rddreg [dreg:$0x14];
	s31 =	simm.s32 $0x15200  }
0x38: {  	[tilespmem:s31], [sflag:$0x2] =	stream.linear.gather [hbm4b:s28+s6], $0x1000, $0x38;
	[tilespmem:$0x1F200] =	vst v63  }
0x39: {  	s3 =	rddreg [dreg:$0xb]  }
0x3a: {  	[tilespmem:s11], [sflag:$0x2] =	stream.linear.gather [hbm4b:s3+s6], $0x1000, $0x38;
	[tilespmem:$0x1F200] =	vst v63  }
0x3b: {  	s5 =	rddreg [dreg:$0xc]  }
0x3c: {  	[tilespmem:s12], [sflag:$0x2] =	stream.linear.gather [hbm4b:s5+s6], $0x1000, $0x38;
	[tilespmem:$0x1F200] =	vst v63  }
0x3d: {  	s7 =	rddreg [dreg:$0xe]  }
0x3e: {  	[tilespmem:s13], [sflag:$0x2] =	stream.linear.gather [hbm4b:s7+s6], $0x1000, $0x38;
	[tilespmem:$0x1F200] =	vst v63  }
0x3f: {  	s8 =	rddreg [dreg:$0x10]  }
0x40: {  	[tilespmem:s15], [sflag:$0x2] =	stream.linear.gather [hbm4b:s8+s6], $0x1000, $0x38;
	[tilespmem:$0x1F200] =	vst v63  }
0x41: {  	s10 =	rddreg [dreg:$0x13]  }
0x42: {  	[tilespmem:s17], [sflag:$0x2] =	stream.linear.gather [hbm4b:s10+s6], $0x1000, $0x38;
	[tilespmem:$0x1F200] =	vst v63  }
0x43: {  	s16 =	rddreg [dreg:$0x15]  }
0x44: {  	[tilespmem:s18], [sflag:$0x2] =	stream.linear.gather [hbm4b:s16+s6], $0x1000, $0x38;
	[tilespmem:$0x1F200] =	vst v63  }
0x45: {  	s19 =	rddreg [dreg:$0x1];
	s28 =	simm.s32 $0x4  }
0x46: {  	[tilespmem:s6], [sflag:$0x4] =	stream.linear.gather [hbm4b:s19+s6], $0x4000, $0x38;
	[tilespmem:$0x1F200] =	vst v63  }
0x47: {  	_ =	swait.ge [sflag:s28], $0x4000  }
0x48: {  	[sflag:s28] =	ssyncset.done $0x0  }
0x49: {  	[sflag:s28] =	ssyncadd.s32 $0xFFFFC000  }
0x4a: {  	s31 =	rddreg [dreg:$0x2]  }
0x4b: {  	[tilespmem:s20], [sflag:$0x4] =	stream.linear.gather [hbm4b:s31+s6], $0x1000, $0x38;
	[tilespmem:$0x1F200] =	vst v63  }
0x4c: {  	_ =	swait.ge [sflag:s28], $0x1000  }
0x4d: {  	[sflag:s28] =	ssyncset.done $0x0  }
0x4e: {  	[sflag:s28] =	ssyncadd.s32 $0xFFFFF000  }
0x4f: {  	v12 =	vld [tilespmem:s6+$0x0];
	_ =	sdelay $0x4  }
0x50: {  	vm0 =	vge.s32 v12, v0;
	vm1 =	vlt.s32 v12, v1  }
0x51: {  	vm0 =	vmand vm0, vm1  }
0x52: {  	v12 =	vmpcnt.ones.xlane vm0;
	_ =	sdelay $0x1  }
0x53: {  	(v2sf) =	vpush v12, $0x0;
	_ =	sdelay $0x4  }
0x54: {  	v13 =	vor.u32 s6, v2  }
0x55: {  	s0 =	simm.s32 $0x10;
	[tilespmem:s6+$0x4080] =	vst.msk vm0, v13  }
0x56: {  	s2 =	simm.s32 $0x0;
	s3 =	simm.s32 $0x20;
	s5 =	simm.s32 $0x10;
	v12 =	vld [tilespmem:s0+$0x0]  }
.LBB2_2:
0x57: {  	p0 =	sne.s32 s3, $0x3FF0;
	_ =	sdelay $0x3  }
0x58: {  	vm0 =	vge.s32 v12, v0;
	vm1 =	vlt.s32 v12, v1  }
0x59: {  	vm0 =	vmand vm0, vm1  }
0x5a: {  	v12 =	vmpcnt.ones.xlane vm0  }
0x5b: {  	s16 =	spop (v2sf)  }
0x5c: {  	v13 =	vor.u32 s0, v2;
	s0 =	smov.u32 s3;
	(v2sf) =	vpush v12, $0x0;
	s2 =	sadd.s32 s2, s16  }
0x5d: {  	[tilespmem:s2+$0x4080] =	vst.msk vm0, v13;
	_ =	sdelay $0x1  }
.Ltmp2:
0x5e: {  	(pc) =	sbr.rel @p0 .LBB2_2-.Ltmp2, $3  }
0x5f: {  	_ =	sdelay $0x1  }
0x60: {  	s5 =	sadd.s32 $0x10, s5  }
0x61: {  	s3 =	sadd.s32 $0x10, s3;
	v12 =	vld [tilespmem:s5+$0x0]  }
0x62: {  	_ =	sdelay $0x3  }
0x63: {  	vm0 =	vge.s32 v12, v0;
	vm1 =	vlt.s32 v12, v1  }
0x64: {  	vm0 =	vmand vm0, vm1  }
0x65: {  	v62 =	vmpcnt.ones.xlane vm0;
	_ =	sdelay $0x1  }
0x66: {  	(v2sf) =	vpush v62, $0x0;
	_ =	sdelay $0xd  }
0x67: {  	s3 =	spop (v2sf)  }
0x68: {  	s28 =	sadd.s32 s2, s3;
	s31 =	spop (v2sf)  }
0x69: {  	s3 =	sadd.s32 s28, s31  }
0x6a: {  	v63 =	vor.u32 s0, v2;
	p0 =	slt.s32 s3, $0x1  }
.Ltmp3:
0x6b: {  	[tilespmem:s28+$0x4080] =	vst.msk vm0, v63;
	(pc) =	sbr.rel @p0 .LBB2_7-.Ltmp3, $4  }
0x6c: {  	[tilespmem:$0xC180] =	vst v3  }
0x6d: {  	[tilespmem:$0xC190] =	vst v3  }
0x6e: {  	[tilespmem:$0xC1A0] =	vst v3  }
0x6f: {  	[tilespmem:$0xC1B0] =	vst v3;
	s16 =	sadd.s32 s28, s31  }
0x70: {  	p1 =	seq.s32 s16, $0x1  }
.Ltmp4:
0x71: {  	_ = 	snop;
	(pc) =	sbr.rel @p1 .LBB2_6-.Ltmp4, $3  }
0x72: {  	_ =	sdelay $0x1  }
0x73: {  	s0 =	simm.s32 $0x4080  }
0x74: {  	s2 =	sadd.s32 $0xFFFFFFFF, s16;
	v12 =	vld [tilespmem:s0+$0x0]  }
.LBB2_5:
0x75: {  	p1 =	seq.s32 s2, $0x1;
	_ =	sdelay $0x3  }
0x76: {  	(v2sf) =	vpush v12, $0x0;
	_ =	sdelay $0xe  }
0x77: {  	s3 =	spop (v2sf)  }
0x78: {  	v12 =	vld [tilespmem:s3+$0x0];
	_ =	sdelay $0x4  }
0x79: {  	(v2sf) =	vpush v12, $0x0;
	_ =	sdelay $0xe  }
0x7a: {  	s3 =	spop (v2sf)  }
0x7b: {  	s5 =	ssub.s32 s3, s4  }
0x7c: {  	p2 =	sgt.s32 s3, $0xF41FF;
	s3 =	sshra.s32 s5, $0x9  }
0x7d: {  	s3 =	simm.s32 @p2 $0x3E  }
0x7e: {  	v12 =	vld [tilespmem:s3+$0xC180];
	_ =	sdelay $0x4  }
0x7f: {  	(v2sf) =	vpush v12, $0x0;
	_ =	sdelay $0xc  }
0x80: {  	v12 =	vmov s3;
	_ =	sdelay $0x1  }
.Ltmp5:
0x81: {  	s3 =	spop (v2sf);
	(pc) =	sbr.rel @!p1 .LBB2_5-.Ltmp5, $4  }
0x82: {  	s3 =	sadd.s32 $0x1, s3  }
0x83: {  	v13 =	vmov s3  }
0x84: {  	s0 =	sadd.s32 $0x1, s0;
	[tilespmem:v12+s21+$0x0] =	vst.idx.msk $0x1, v13  }
0x85: {  	s2 =	sadd.s32 $0xFFFFFFFF, s2;
	v12 =	vld [tilespmem:s0+$0x0]  }
.LBB2_6:
0x86: {  	_ =	sdelay $0x3  }
0x87: {  	(v2sf) =	vpush v12, $0x0;
	_ =	sdelay $0xe  }
0x88: {  	s0 =	spop (v2sf)  }
0x89: {  	v61 =	vld [tilespmem:s0+$0x0];
	_ =	sdelay $0x4  }
0x8a: {  	(v2sf) =	vpush v61, $0x0;
	_ =	sdelay $0xe  }
0x8b: {  	s28 =	spop (v2sf)  }
0x8c: {  	s2 =	ssub.s32 s28, s4  }
0x8d: {  	p1 =	sgt.s32 s28, $0xF41FF;
	s0 =	sshra.s32 s2, $0x9  }
0x8e: {  	s0 =	simm.s32 @p1 $0x3E  }
0x8f: {  	v62 =	vld [tilespmem:s0+$0xC180];
	_ =	sdelay $0x4  }
0x90: {  	(v2sf) =	vpush v62, $0x0;
	_ =	sdelay $0xc  }
0x91: {  	v63 =	vmov s0;
	_ =	sdelay $0x1  }
0x92: {  	s31 =	spop (v2sf)  }
0x93: {  	s0 =	sadd.s32 $0x1, s31  }
0x94: {  	v13 =	vmov s0  }
0x95: {  	[tilespmem:v63+s21+$0x0] =	vst.idx.msk $0x1, v13  }
.LBB2_7:
0x96: {  	s2 =	simm.s32 $0xC180  }
0x97: {  	v13 =	vld [tilespmem:s2+$0x0];
	_ =	sdelay $0x4  }
0x98: {  	(v2sf) =	vpush v13, $0x0;
	_ =	sdelay $0x3  }
0x99: {  	s0 =	simm.s32 $0x0  }
0x9a: {  	v12 =	vmov s0;
	_ =	sdelay $0x3  }
0x9b: {  	v14 =	vmov s0  }
0x9c: {  	s3 =	simm.s32 $0xC181;
	[tilespmem:v12+s21+$0x0] =	vst.idx.msk $0x1, v14  }
0x9d: {  	s5 =	simm.s32 $0x2;
	s2 =	simm.s32 $0x1;
	v12 =	vld [tilespmem:s3+$0x0]  }
.LBB2_8:
0x9e: {  	p1 =	seq.s32 s5, $0x3E  }
0x9f: {  	v13 =	vmov s2;
	s2 =	smov.u32 s5;
	_ =	sdelay $0x1  }
0xa0: {  	s19 =	spop (v2sf)  }
0xa1: {  	(v2sf) =	vpush v12, $0x0;
	s0 =	sadd.s32 s0, s19  }
0xa2: {  	v12 =	vmov s0  }
0xa3: {  	[tilespmem:v13+s21+$0x0] =	vst.idx.msk $0x1, v12;
	_ =	sdelay $0x4  }
.Ltmp6:
0xa4: {  	(pc) =	sbr.rel @!p1 .LBB2_8-.Ltmp6, $3  }
0xa5: {  	_ =	sdelay $0x1  }
0xa6: {  	s3 =	sadd.s32 $0x1, s3  }
0xa7: {  	s5 =	sadd.s32 $0x1, s5;
	v12 =	vld [tilespmem:s3+$0x0]  }
0xa8: {  	_ =	sdelay $0x3  }
0xa9: {  	(v2sf) =	vpush v12, $0x0;
	_ =	sdelay $0x9  }
0xaa: {  	v63 =	vmov s2  }
.Ltmp7:
0xab: {  	_ = 	snop;
	(pc) =	sbr.rel @p0 .LBB2_13-.Ltmp7, $4  }
0xac: {  	s28 =	spop (v2sf)  }
0xad: {  	s0 =	sadd.s32 s0, s28  }
0xae: {  	v13 =	vmov s0  }
0xaf: {  	[tilespmem:v63+s21+$0x0] =	vst.idx.msk $0x1, v13;
	s31 =	spop (v2sf)  }
0xb0: {  	s0 =	simm.s32 $0x4080  }
0xb1: {  	v12 =	vld [tilespmem:s0+$0x0];
	_ =	sdelay $0x4  }
0xb2: {  	(v2sf) =	vpush v12, $0x0;
	_ =	sdelay $0xe  }
0xb3: {  	s2 =	spop (v2sf)  }
0xb4: {  	v13 =	vld [tilespmem:s2+$0x0];
	_ =	sdelay $0x4  }
0xb5: {  	(v2sf) =	vpush v13, $0x0;
	_ =	sdelay $0xe  }
0xb6: {  	s28 =	spop (v2sf)  }
0xb7: {  	s3 =	ssub.s32 s28, s4  }
0xb8: {  	p0 =	sgt.s32 s28, $0xF41FF;
	s3 =	sshra.s32 s3, $0x9  }
0xb9: {  	s3 =	simm.s32 @p0 $0x3E  }
0xba: {  	v13 =	vld [tilespmem:s3+$0xC180];
	_ =	sdelay $0x4  }
0xbb: {  	(v2sf) =	vpush v13, $0x0;
	_ =	sdelay $0x6  }
0xbc: {  	v13 =	vbroadcast v13, $0x0;
	_ =	sdelay $0x3  }
0xbd: {  	v12 =	vbroadcast v12, $0x0  }
0xbe: {  	p0 =	sne.s32 s16, $0x1  }
.Ltmp8:
0xbf: {  	[tilespmem:v13+s22+$0x0] =	vst.idx.msk $0x1, v12;
	v12 =	vmov s3;
	(pc) =	sbr.rel @!p0 .LBB2_12-.Ltmp8, $4  }
0xc0: {  	_ = 	snop  }
0xc1: {  	s31 =	spop (v2sf)  }
0xc2: {  	s5 =	sadd.s32 $0x1, s31  }
0xc3: {  	s2 =	sadd.s32 $0xFFFFFFFF, s16;
	v13 =	vmov s5  }
.LBB2_11:
0xc4: {  	p0 =	sne.s32 s2, $0x1;
	s2 =	sadd.s32 $0xFFFFFFFF, s2;
	[tilespmem:v12+s21+$0x0] =	vst.idx.msk $0x1, v13;
	s0 =	sadd.s32 $0x1, s0  }
0xc5: {  	v12 =	vld [tilespmem:s0+$0x0];
	_ =	sdelay $0x4  }
0xc6: {  	(v2sf) =	vpush v12, $0x0;
	_ =	sdelay $0xe  }
0xc7: {  	s3 =	spop (v2sf)  }
0xc8: {  	v13 =	vld [tilespmem:s3+$0x0];
	_ =	sdelay $0x4  }
0xc9: {  	(v2sf) =	vpush v13, $0x0;
	_ =	sdelay $0xe  }
0xca: {  	s3 =	spop (v2sf)  }
0xcb: {  	s5 =	ssub.s32 s3, s4  }
0xcc: {  	p1 =	sgt.s32 s3, $0xF41FF;
	s3 =	sshra.s32 s5, $0x9  }
0xcd: {  	s3 =	simm.s32 @p1 $0x3E  }
0xce: {  	v13 =	vld [tilespmem:s3+$0xC180];
	_ =	sdelay $0x4  }
0xcf: {  	v14 =	vbroadcast v13, $0x0;
	(v2sf) =	vpush v13, $0x0;
	_ =	sdelay $0x3  }
0xd0: {  	v12 =	vbroadcast v12, $0x0;
	_ =	sdelay $0x1  }
0xd1: {  	[tilespmem:v14+s22+$0x0] =	vst.idx.msk $0x1, v12;
	_ =	sdelay $0x6  }
.Ltmp9:
0xd2: {  	v12 =	vmov s3;
	(pc) =	sbr.rel @p0 .LBB2_11-.Ltmp9, $4  }
0xd3: {  	_ = 	snop  }
0xd4: {  	s3 =	spop (v2sf)  }
0xd5: {  	s3 =	sadd.s32 $0x1, s3  }
0xd6: {  	v13 =	vmov s3  }
.LBB2_12:
0xd7: {  	_ =	sdelay $0x3  }
0xd8: {  	[tilespmem:v12+s21+$0x0] =	vst.idx.msk $0x1, v13  }
.LBB2_13:
.Ltmp10:
0xd9: {  	(pc) =	sbr.rel .LBB2_14-.Ltmp10, $2  }
0xda: {  	_ =	sdelay $0x2  }
0xdb: {  	s19 =	simm.s32 $0x0;
	s16 =	simm.s32 $0x0  }
.LBB2_21:
0xdc: {  	[sflag:s3] =	ssyncset.done @!p1 $0x0  }
0xdd: {  	[sflag:s3] =	ssyncadd.s32 @!p1 $0xFFFFE000  }
.LBB2_22:
0xde: {  	s0 =	sadd.s32 s28, s29  }
0xdf: {  	s0 =	smin.u32 s0, $0x1E80  }
0xe0: {  	s0 =	sshll.u32 s0, $0x7  }
0xe1: {  	s0 =	sadd.s32 s1, s0  }
0xe2: {  	[tilespmem:s9], [sflag:$0x2] =	stream.linear.gather [hbm4b:s0+s6], $0x1000, $0x38;
	[tilespmem:$0x1F200] =	vst v63  }
0xe3: {  	s3 =	simm.s32 $0x15200;
	s2 =	sadd.s32 $0xF4280, s0  }
0xe4: {  	[tilespmem:s3], [sflag:$0x2] =	stream.linear.gather [hbm4b:s2+s6], $0x1000, $0x38;
	[tilespmem:$0x1F200] =	vst v63  }
0xe5: {  	s7 =	sadd.s32 $0x1E8500, s0  }
0xe6: {  	[tilespmem:s11], [sflag:$0x2] =	stream.linear.gather [hbm4b:s7+s6], $0x1000, $0x38;
	[tilespmem:$0x1F200] =	vst v63  }
0xe7: {  	s8 =	sadd.s32 $0x2DC780, s0  }
0xe8: {  	[tilespmem:s12], [sflag:$0x2] =	stream.linear.gather [hbm4b:s8+s6], $0x1000, $0x38;
	[tilespmem:$0x1F200] =	vst v63  }
0xe9: {  	s16 =	sadd.s32 $0x1, s16;
	s10 =	sadd.s32 $0x3D0A00, s0  }
0xea: {  	[tilespmem:s13], [sflag:$0x2] =	stream.linear.gather [hbm4b:s10+s6], $0x1000, $0x38;
	[tilespmem:$0x1F200] =	vst v63  }
0xeb: {  	p0 =	sne.s32 s16, $0x1F;
	s28 =	sadd.s32 $0x4C4C80, s0  }
0xec: {  	[tilespmem:s15], [sflag:$0x2] =	stream.linear.gather [hbm4b:s28+s6], $0x1000, $0x38;
	[tilespmem:$0x1F200] =	vst v63  }
.Ltmp11:
0xed: {  	_ = 	snop;
	(pc) =	sbr.rel @!p0 .LBB2_23-.Ltmp11, $4  }
0xee: {  	s31 =	sadd.s32 $0x5B8F00, s0  }
0xef: {  	[tilespmem:s17], [sflag:$0x2] =	stream.linear.gather [hbm4b:s31+s6], $0x1000, $0x38;
	[tilespmem:$0x1F200] =	vst v63  }
0xf0: {  	s0 =	sadd.s32 $0x6AD180, s0  }
0xf1: {  	[tilespmem:s18], [sflag:$0x2] =	stream.linear.gather [hbm4b:s0+s6], $0x1000, $0x38;
	[tilespmem:$0x1F200] =	vst v63  }
.LBB2_14:
0xf2: {  	_ =	swait.ge [sflag:s23], $0x8000  }
0xf3: {  	s31 =	sshll.u32 s16, $0x1;
	[sflag:s23] =	ssyncset.done $0x0  }
0xf4: {  	s0 =	smax.u32 s31, $0x1;
	[sflag:s23] =	ssyncadd.s32 $0xFFFF8000  }
0xf5: {  	v12 =	vld [tilespmem:s0+$0xC17F]  }
0xf6: {  	v13 =	vld [tilespmem:s31+$0xC180];
	_ =	sdelay $0x3  }
0xf7: {  	(v2sf) =	vpush v12, $0x0  }
0xf8: {  	(v2sf) =	vpush v13, $0x0;
	_ =	sdelay $0xd  }
0xf9: {  	p0 =	seq.s32 s16, $0x0;
	s2 =	spop (v2sf)  }
0xfa: {  	s2 =	simm.s32 @p0 $0x0;
	s3 =	spop (v2sf)  }
0xfb: {  	p0 =	sle.s32 s3, s2  }
.Ltmp12:
0xfc: {  	_ = 	snop;
	(pc) =	sbr.rel @p0 .LBB2_18-.Ltmp12, $2  }
0xfd: {  	_ =	sdelay $0x2  }
0xfe: {  	s28 =	sshll.u32 s16, $0x3  }
0xff: {  	s0 =	sshll.u32 s2, $0x2  }
0x100: {  	s0 =	sshra.s32 s0, $0x2  }
0x101: {  	s5 =	sadd.s32 $0x8100, s0  }
0x102: {  	v12 =	vld [tilespmem:s5+$0x0];
	_ =	sdelay $0x4  }
0x103: {  	(v2sf) =	vpush v12, $0x0;
	_ =	sdelay $0xe  }
0x104: {  	s7 =	spop (v2sf)  }
0x105: {  	v61 =	vld [tilespmem:s7+$0x0];
	_ =	sdelay $0x4  }
0x106: {  	(v2sf) =	vpush v61, $0x0;
	_ =	sdelay $0xb  }
0x107: {  	s8 =	rddreg [dreg:$0xd]  }
0x108: {  	s0 =	sadd.s32 s8, s28  }
0x109: {  	s0 =	smin.u32 s0, $0x1E80  }
0x10a: {  	s0 =	sshll.u32 s0, $0x7;
	s8 =	spop (v2sf)  }
0x10b: {  	s8 =	ssub.s32 s8, s0  }
0x10c: {  	v62 =	vmov s8  }
0x10d: {  	v13 =	vshll.u32 v62, $0x3  }
0x10e: {  	v12 =	vand.u32 $0x7F, v62;
	v13 =	vand.u32 $0xFFFFFC00, v13  }
0x10f: {  	v12 =	vor.u32 v12, v13  }
0x110: {  	v13 =	vadd.s32 v4, v12;
	_ =	sdelay $0x4  }
0x111: {  	v13 =	vld.idx.msk [tilespmem:v13+s30+$0x0], $0xffff  }
0x112: {  	v14 =	vadd.s32 v6, v12;
	_ =	sdelay $0x1  }
0x113: {  	s10 =	sshll.u32 s19, $0x9  }
0x114: {  	s8 =	sshra.s32 s10, $0x2  }
0x115: {  	[tilespmem:s8+$0x1D200] =	vst v13  }
0x116: {  	v13 =	vld.idx.msk [tilespmem:v14+s30+$0x0], $0xffff  }
0x117: {  	v63 =	vadd.s32 v7, v12;
	_ =	sdelay $0x3  }
0x118: {  	[tilespmem:s8+$0x1D210] =	vst v13  }
0x119: {  	v13 =	vld.idx.msk [tilespmem:v63+s30+$0x0], $0xffff  }
0x11a: {  	v12 =	vadd.s32 v8, v12;
	_ =	sdelay $0x3  }
0x11b: {  	[tilespmem:s8+$0x1D220] =	vst v13  }
0x11c: {  	v12 =	vld.idx.msk [tilespmem:v12+s30+$0x0], $0xffff  }
0x11d: {  	s3 =	ssub.s32 s3, s2  }
0x11e: {  	s2 =	sadd.s32 $0xFFFFFFFF, s3  }
0x11f: {  	p0 =	sne.s32 s2, $0x0;
	s7 =	sshll.u32 s7, $0x4  }
.Ltmp13:
0x120: {  	s19 =	sadd.s32 $0x1, s19;
	s3 =	sand.u32 $0x1FFFFFF0, s7;
	(pc) =	sbr.rel @!p0 .LBB2_17-.Ltmp13, $4  }
0x121: {  	p1 =	slt.s32 s19, $0x40;
	s3 =	sadd.s32 s14, s3;
	s10 =	sadd.s32 $0x1D200, s8;
	[tilespmem:s8+$0x1D230] =	vst v12  }
0x122: {  	[hbm4b:s3+s6] =	stream.linear.scatter [tilespmem:s10], [sflag:$0x3], $0x80, $0x38;
	[tilespmem:$0x1F200] =	vst v63  }
0x123: {  	p2 =	sgt.s32 s19, $0x3F;
	s3 =	simm.s32 @!p1 $0x3  }
0x124: {  	s19 =	simm.s32 @p2 $0x0;
	_ =	swait.ge @!p1 [sflag:s3], $0x2000  }
.LBB2_16:
0x125: {  	s2 =	sadd.s32 $0xFFFFFFFF, s2;
	[sflag:s3] =	ssyncset.done @!p1 $0x0;
	s5 =	sadd.s32 $0x1, s5  }
0x126: {  	p0 =	sne.s32 s2, $0x0;
	[sflag:s3] =	ssyncadd.s32 @!p1 $0xFFFFE000  }
0x127: {  	v12 =	vld [tilespmem:s5+$0x0];
	_ =	sdelay $0x4  }
0x128: {  	(v2sf) =	vpush v12, $0x0;
	_ =	sdelay $0xe  }
0x129: {  	s3 =	spop (v2sf)  }
0x12a: {  	v12 =	vld [tilespmem:s3+$0x0];
	s3 =	sshll.u32 s3, $0x4;
	_ =	sdelay $0x4  }
0x12b: {  	(v2sf) =	vpush v12, $0x0;
	_ =	sdelay $0xe  }
0x12c: {  	s7 =	spop (v2sf)  }
0x12d: {  	s7 =	ssub.s32 s7, s0  }
0x12e: {  	v12 =	vmov s7  }
0x12f: {  	v13 =	vand.u32 $0x7F, v12;
	v12 =	vshll.u32 v12, $0x3  }
0x130: {  	v12 =	vand.u32 $0xFFFFFC00, v12  }
0x131: {  	v12 =	vor.u32 v13, v12  }
0x132: {  	v13 =	vadd.s32 v4, v12;
	_ =	sdelay $0x4  }
0x133: {  	v13 =	vld.idx.msk [tilespmem:v13+s30+$0x0], $0xffff  }
0x134: {  	v14 =	vadd.s32 v6, v12;
	_ =	sdelay $0x1  }
0x135: {  	s7 =	sshll.u32 s19, $0x9  }
0x136: {  	s7 =	sshra.s32 s7, $0x2;
	_ =	sdelay $0x1  }
0x137: {  	[tilespmem:s7+$0x1D200] =	vst v13  }
0x138: {  	v13 =	vld.idx.msk [tilespmem:v14+s30+$0x0], $0xffff  }
0x139: {  	v14 =	vadd.s32 v7, v12;
	_ =	sdelay $0x4  }
0x13a: {  	[tilespmem:s7+$0x1D210] =	vst v13  }
0x13b: {  	v13 =	vld.idx.msk [tilespmem:v14+s30+$0x0], $0xffff  }
0x13c: {  	v12 =	vadd.s32 v8, v12;
	_ =	sdelay $0x4  }
0x13d: {  	[tilespmem:s7+$0x1D220] =	vst v13  }
0x13e: {  	v12 =	vld.idx.msk [tilespmem:v12+s30+$0x0], $0xffff;
	_ =	sdelay $0x3  }
.Ltmp14:
0x13f: {  	s3 =	sand.u32 $0x1FFFFFF0, s3;
	s19 =	sadd.s32 $0x1, s19;
	(pc) =	sbr.rel @p0 .LBB2_16-.Ltmp14, $4  }
0x140: {  	s10 =	sadd.s32 s14, s3;
	p1 =	slt.s32 s19, $0x40;
	s8 =	sadd.s32 $0x1D200, s7  }
0x141: {  	p2 =	sgt.s32 s19, $0x3F;
	s3 =	simm.s32 @!p1 $0x3;
	[tilespmem:s7+$0x1D230] =	vst v12  }
0x142: {  	[hbm4b:s10+s6] =	stream.linear.scatter [tilespmem:s8], [sflag:$0x3], $0x80, $0x38;
	[tilespmem:$0x1F200] =	vst v63  }
0x143: {  	s19 =	simm.s32 @p2 $0x0;
	_ =	swait.ge @!p1 [sflag:s3], $0x2000  }
.LBB2_17:
0x144: {  	[sflag:s3] =	ssyncset.done @!p1 $0x0  }
0x145: {  	[sflag:s3] =	ssyncadd.s32 @!p1 $0xFFFFE000  }
.LBB2_18:
0x146: {  	s0 =	sadd.s32 s28, s26  }
0x147: {  	s0 =	smin.u32 s0, $0x1E80  }
0x148: {  	s0 =	sshll.u32 s0, $0x7  }
0x149: {  	s0 =	sadd.s32 s1, s0  }
0x14a: {  	[tilespmem:s30], [sflag:$0x1] =	stream.linear.gather [hbm4b:s0+s6], $0x1000, $0x38;
	[tilespmem:$0x1F200] =	vst v63  }
0x14b: {  	s3 =	simm.s32 $0xD200;
	s2 =	sadd.s32 $0xF4280, s0  }
0x14c: {  	[tilespmem:s3], [sflag:$0x1] =	stream.linear.gather [hbm4b:s2+s6], $0x1000, $0x38;
	[tilespmem:$0x1F200] =	vst v63  }
0x14d: {  	s10 =	simm.s32 $0xE200;
	s8 =	sadd.s32 $0x1E8500, s0  }
0x14e: {  	[tilespmem:s10], [sflag:$0x1] =	stream.linear.gather [hbm4b:s8+s6], $0x1000, $0x38;
	[tilespmem:$0x1F200] =	vst v63  }
0x14f: {  	s7 =	simm.s32 $0xF200;
	s5 =	sadd.s32 $0x2DC780, s0  }
0x150: {  	[tilespmem:s7], [sflag:$0x1] =	stream.linear.gather [hbm4b:s5+s6], $0x1000, $0x38;
	[tilespmem:$0x1F200] =	vst v63  }
0x151: {  	s8 =	sadd.s32 $0x3D0A00, s0;
	s10 =	simm.s32 $0x10200  }
0x152: {  	[tilespmem:s10], [sflag:$0x1] =	stream.linear.gather [hbm4b:s8+s6], $0x1000, $0x38;
	[tilespmem:$0x1F200] =	vst v63  }
0x153: {  	s3 =	sadd.s32 $0x4C4C80, s0;
	s5 =	simm.s32 $0x11200  }
0x154: {  	[tilespmem:s5], [sflag:$0x1] =	stream.linear.gather [hbm4b:s3+s6], $0x1000, $0x38;
	[tilespmem:$0x1F200] =	vst v63  }
0x155: {  	s7 =	sadd.s32 $0x5B8F00, s0;
	s8 =	simm.s32 $0x12200  }
0x156: {  	[tilespmem:s8], [sflag:$0x1] =	stream.linear.gather [hbm4b:s7+s6], $0x1000, $0x38;
	[tilespmem:$0x1F200] =	vst v63  }
0x157: {  	s0 =	sadd.s32 $0x6AD180, s0;
	s10 =	simm.s32 $0x13200  }
0x158: {  	[tilespmem:s10], [sflag:$0x1] =	stream.linear.gather [hbm4b:s0+s6], $0x1000, $0x38;
	[tilespmem:$0x1F200] =	vst v63  }
0x159: {  	_ =	swait.ge [sflag:s24], $0x8000  }
0x15a: {  	[sflag:s24] =	ssyncset.done $0x0  }
0x15b: {  	[sflag:s24] =	ssyncadd.s32 $0xFFFF8000  }
0x15c: {  	v12 =	vld [tilespmem:s31+$0xC180]  }
0x15d: {  	v13 =	vld [tilespmem:s31+$0xC181];
	_ =	sdelay $0x3  }
0x15e: {  	(v2sf) =	vpush v12, $0x0  }
0x15f: {  	(v2sf) =	vpush v13, $0x0;
	_ =	sdelay $0xd  }
0x160: {  	s2 =	spop (v2sf)  }
0x161: {  	s3 =	spop (v2sf)  }
0x162: {  	p0 =	sle.s32 s3, s2  }
.Ltmp15:
0x163: {  	_ = 	snop;
	(pc) =	sbr.rel @p0 .LBB2_22-.Ltmp15, $1  }
0x164: {  	_ =	sdelay $0x3  }
0x165: {  	s0 =	sshll.u32 s2, $0x2  }
0x166: {  	s0 =	sshra.s32 s0, $0x2  }
0x167: {  	s5 =	sadd.s32 $0x8100, s0  }
0x168: {  	v12 =	vld [tilespmem:s5+$0x0];
	_ =	sdelay $0x4  }
0x169: {  	(v2sf) =	vpush v12, $0x0;
	_ =	sdelay $0xe  }
0x16a: {  	s7 =	spop (v2sf)  }
0x16b: {  	v61 =	vld [tilespmem:s7+$0x0];
	_ =	sdelay $0x4  }
0x16c: {  	(v2sf) =	vpush v61, $0x0;
	_ =	sdelay $0xb  }
0x16d: {  	s10 =	rddreg [dreg:$0x17]  }
0x16e: {  	s0 =	sadd.s32 s28, s10  }
0x16f: {  	s0 =	smin.u32 s0, $0x1E80  }
0x170: {  	s0 =	sshll.u32 s0, $0x7;
	s8 =	spop (v2sf)  }
0x171: {  	s8 =	ssub.s32 s8, s0  }
0x172: {  	v62 =	vmov s8  }
0x173: {  	v13 =	vshll.u32 v62, $0x3  }
0x174: {  	v12 =	vand.u32 $0x7F, v62;
	v13 =	vand.u32 $0xFFFFFC00, v13  }
0x175: {  	v12 =	vor.u32 v12, v13  }
0x176: {  	v13 =	vadd.s32 v4, v12;
	_ =	sdelay $0x4  }
0x177: {  	v13 =	vld.idx.msk [tilespmem:v13+s9+$0x0], $0xffff  }
0x178: {  	v14 =	vadd.s32 v6, v12;
	_ =	sdelay $0x1  }
0x179: {  	s31 =	sshll.u32 s19, $0x9  }
0x17a: {  	s8 =	sshra.s32 s31, $0x2  }
0x17b: {  	[tilespmem:s8+$0x1D200] =	vst v13  }
0x17c: {  	v13 =	vld.idx.msk [tilespmem:v14+s9+$0x0], $0xffff  }
0x17d: {  	v63 =	vadd.s32 v7, v12;
	_ =	sdelay $0x3  }
0x17e: {  	[tilespmem:s8+$0x1D210] =	vst v13  }
0x17f: {  	v13 =	vld.idx.msk [tilespmem:v63+s9+$0x0], $0xffff  }
0x180: {  	v12 =	vadd.s32 v8, v12;
	_ =	sdelay $0x3  }
0x181: {  	[tilespmem:s8+$0x1D220] =	vst v13  }
0x182: {  	v12 =	vld.idx.msk [tilespmem:v12+s9+$0x0], $0xffff  }
0x183: {  	s3 =	ssub.s32 s3, s2  }
0x184: {  	s2 =	sadd.s32 $0xFFFFFFFF, s3  }
0x185: {  	p0 =	sne.s32 s2, $0x0;
	s10 =	sshll.u32 s7, $0x4  }
.Ltmp16:
0x186: {  	s19 =	sadd.s32 $0x1, s19;
	s3 =	sand.u32 $0x1FFFFFF0, s10;
	(pc) =	sbr.rel @!p0 .LBB2_21-.Ltmp16, $4  }
0x187: {  	p1 =	slt.s32 s19, $0x40;
	s3 =	sadd.s32 s14, s3;
	s31 =	sadd.s32 $0x1D200, s8;
	[tilespmem:s8+$0x1D230] =	vst v12  }
0x188: {  	[hbm4b:s3+s6] =	stream.linear.scatter [tilespmem:s31], [sflag:$0x3], $0x80, $0x38;
	[tilespmem:$0x1F200] =	vst v63  }
0x189: {  	p2 =	sgt.s32 s19, $0x3F;
	s3 =	simm.s32 @!p1 $0x3  }
0x18a: {  	s19 =	simm.s32 @p2 $0x0;
	_ =	swait.ge @!p1 [sflag:s3], $0x2000  }
.LBB2_20:
0x18b: {  	s2 =	sadd.s32 $0xFFFFFFFF, s2;
	[sflag:s3] =	ssyncset.done @!p1 $0x0;
	s5 =	sadd.s32 $0x1, s5  }
0x18c: {  	p0 =	sne.s32 s2, $0x0;
	[sflag:s3] =	ssyncadd.s32 @!p1 $0xFFFFE000  }
0x18d: {  	v12 =	vld [tilespmem:s5+$0x0];
	_ =	sdelay $0x4  }
0x18e: {  	(v2sf) =	vpush v12, $0x0;
	_ =	sdelay $0xe  }
0x18f: {  	s3 =	spop (v2sf)  }
0x190: {  	v12 =	vld [tilespmem:s3+$0x0];
	s3 =	sshll.u32 s3, $0x4;
	_ =	sdelay $0x4  }
0x191: {  	(v2sf) =	vpush v12, $0x0;
	_ =	sdelay $0xe  }
0x192: {  	s7 =	spop (v2sf)  }
0x193: {  	s7 =	ssub.s32 s7, s0  }
0x194: {  	v12 =	vmov s7  }
0x195: {  	v13 =	vand.u32 $0x7F, v12;
	v12 =	vshll.u32 v12, $0x3  }
0x196: {  	v12 =	vand.u32 $0xFFFFFC00, v12  }
0x197: {  	v12 =	vor.u32 v13, v12  }
0x198: {  	v13 =	vadd.s32 v4, v12;
	_ =	sdelay $0x4  }
0x199: {  	v13 =	vld.idx.msk [tilespmem:v13+s9+$0x0], $0xffff  }
0x19a: {  	v14 =	vadd.s32 v6, v12;
	_ =	sdelay $0x1  }
0x19b: {  	s7 =	sshll.u32 s19, $0x9  }
0x19c: {  	s7 =	sshra.s32 s7, $0x2;
	_ =	sdelay $0x1  }
0x19d: {  	[tilespmem:s7+$0x1D200] =	vst v13  }
0x19e: {  	v13 =	vld.idx.msk [tilespmem:v14+s9+$0x0], $0xffff  }
0x19f: {  	v14 =	vadd.s32 v7, v12;
	_ =	sdelay $0x4  }
0x1a0: {  	[tilespmem:s7+$0x1D210] =	vst v13  }
0x1a1: {  	v13 =	vld.idx.msk [tilespmem:v14+s9+$0x0], $0xffff  }
0x1a2: {  	v12 =	vadd.s32 v8, v12;
	_ =	sdelay $0x4  }
0x1a3: {  	[tilespmem:s7+$0x1D220] =	vst v13  }
0x1a4: {  	v12 =	vld.idx.msk [tilespmem:v12+s9+$0x0], $0xffff;
	_ =	sdelay $0x3  }
.Ltmp17:
0x1a5: {  	s3 =	sand.u32 $0x1FFFFFF0, s3;
	s19 =	sadd.s32 $0x1, s19;
	(pc) =	sbr.rel @p0 .LBB2_20-.Ltmp17, $4  }
0x1a6: {  	s10 =	sadd.s32 s14, s3;
	p1 =	slt.s32 s19, $0x40;
	s8 =	sadd.s32 $0x1D200, s7  }
0x1a7: {  	p2 =	sgt.s32 s19, $0x3F;
	s3 =	simm.s32 @!p1 $0x3;
	[tilespmem:s7+$0x1D230] =	vst v12  }
0x1a8: {  	[hbm4b:s10+s6] =	stream.linear.scatter [tilespmem:s8], [sflag:$0x3], $0x80, $0x38;
	[tilespmem:$0x1F200] =	vst v63  }
0x1a9: {  	s19 =	simm.s32 @p2 $0x0;
	_ =	swait.ge @!p1 [sflag:s3], $0x2000  }
.Ltmp18:
0x1aa: {  	_ = 	snop;
	(pc) =	sbr.rel .LBB2_21-.Ltmp18, $1  }
0x1ab: {  	_ =	sdelay $0x3  }
.LBB2_23:
0x1ac: {  	_ =	swait.ge [sflag:s23], $0x8000  }
0x1ad: {  	[sflag:s23] =	ssyncset.done $0x0  }
0x1ae: {  	[sflag:s23] =	ssyncadd.s32 $0xFFFF8000  }
0x1af: {  	_ =	swait.ge [sflag:s24], $0x8000  }
0x1b0: {  	[sflag:s24] =	ssyncset.done $0x0  }
0x1b1: {  	[sflag:s24] =	ssyncadd.s32 $0xFFFF8000  }
0x1b2: {  	v12 =	vld [tilespmem:$0xC1BD]  }
0x1b3: {  	v13 =	vld [tilespmem:$0xC1BE];
	_ =	sdelay $0x3  }
0x1b4: {  	(v2sf) =	vpush v12, $0x0  }
0x1b5: {  	(v2sf) =	vpush v13, $0x0;
	_ =	sdelay $0xd  }
0x1b6: {  	s0 =	spop (v2sf)  }
0x1b7: {  	s2 =	spop (v2sf)  }
0x1b8: {  	p0 =	sle.s32 s2, s0  }
.Ltmp19:
0x1b9: {  	_ = 	snop;
	(pc) =	sbr.rel @p0 .LBB2_24-.Ltmp19, $1  }
0x1ba: {  	_ =	sdelay $0x3  }
0x1bb: {  	s3 =	sshll.u32 s0, $0x2  }
0x1bc: {  	s3 =	sshra.s32 s3, $0x2  }
0x1bd: {  	s2 =	ssub.s32 s2, s0;
	s0 =	sadd.s32 $0x8100, s3  }
0x1be: {  	v12 =	vld [tilespmem:s0+$0x0];
	_ =	sdelay $0x4  }
0x1bf: {  	(v2sf) =	vpush v12, $0x0;
	_ =	sdelay $0xe  }
0x1c0: {  	s28 =	spop (v2sf)  }
0x1c1: {  	v60 =	vld [tilespmem:s28+$0x0];
	_ =	sdelay $0x4  }
0x1c2: {  	(v2sf) =	vpush v60, $0x0;
	_ =	sdelay $0xe  }
0x1c3: {  	s5 =	spop (v2sf)  }
0x1c4: {  	s5 =	sadd.s32 $0xFFF0BE00, s5  }
0x1c5: {  	v61 =	vadd.s32 s5, v5;
	_ =	sdelay $0x4  }
0x1c6: {  	v12 =	vld.idx.msk [tilespmem:v61+s20+$0x0], $0xffff  }
0x1c7: {  	v13 =	vadd.s32 s5, v9;
	_ =	sdelay $0x1  }
0x1c8: {  	s7 =	sshll.u32 s19, $0x9  }
0x1c9: {  	s7 =	sshra.s32 s7, $0x2  }
0x1ca: {  	[tilespmem:s7+$0x1D200] =	vst v12  }
0x1cb: {  	v12 =	vld.idx.msk [tilespmem:v13+s20+$0x0], $0xffff  }
0x1cc: {  	v62 =	vadd.s32 s5, v10;
	_ =	sdelay $0x3  }
0x1cd: {  	[tilespmem:s7+$0x1D210] =	vst v12  }
0x1ce: {  	v12 =	vld.idx.msk [tilespmem:v62+s20+$0x0], $0xffff  }
0x1cf: {  	v63 =	vadd.s32 s5, v11;
	_ =	sdelay $0x3  }
0x1d0: {  	[tilespmem:s7+$0x1D220] =	vst v12  }
0x1d1: {  	v12 =	vld.idx.msk [tilespmem:v63+s20+$0x0], $0xffff;
	_ =	sdelay $0x1  }
0x1d2: {  	s2 =	sadd.s32 $0xFFFFFFFF, s2  }
0x1d3: {  	p0 =	seq.s32 s2, $0x0;
	s3 =	sshll.u32 s28, $0x4  }
.Ltmp20:
0x1d4: {  	s19 =	sadd.s32 $0x1, s19;
	s3 =	sand.u32 $0x1FFFFFF0, s3;
	(pc) =	sbr.rel @p0 .LBB2_33-.Ltmp20, $4  }
0x1d5: {  	p1 =	slt.s32 s19, $0x40;
	s31 =	sadd.s32 $0x1D200, s7;
	s3 =	sadd.s32 s14, s3;
	[tilespmem:s7+$0x1D230] =	vst v12  }
0x1d6: {  	[hbm4b:s3+s6] =	stream.linear.scatter [tilespmem:s31], [sflag:$0x3], $0x80, $0x38;
	[tilespmem:$0x1F200] =	vst v63  }
0x1d7: {  	p2 =	sgt.s32 s19, $0x3F;
	s3 =	simm.s32 @!p1 $0x3  }
0x1d8: {  	s10 =	rddreg [dreg:$0x18];
	s19 =	simm.s32 @p2 $0x0;
	_ =	swait.ge @!p1 [sflag:s3], $0x2000  }
.LBB2_32:
0x1d9: {  	s2 =	sadd.s32 $0xFFFFFFFF, s2;
	[sflag:s3] =	ssyncset.done @!p1 $0x0;
	s0 =	sadd.s32 $0x1, s0  }
0x1da: {  	p0 =	seq.s32 s2, $0x0;
	[sflag:s3] =	ssyncadd.s32 @!p1 $0xFFFFE000  }
0x1db: {  	v12 =	vld [tilespmem:s0+$0x0];
	_ =	sdelay $0x4  }
0x1dc: {  	(v2sf) =	vpush v12, $0x0;
	_ =	sdelay $0xe  }
0x1dd: {  	s3 =	spop (v2sf)  }
0x1de: {  	v12 =	vld [tilespmem:s3+$0x0];
	s3 =	sshll.u32 s3, $0x4;
	_ =	sdelay $0x4  }
0x1df: {  	(v2sf) =	vpush v12, $0x0;
	_ =	sdelay $0xe  }
0x1e0: {  	s5 =	spop (v2sf)  }
0x1e1: {  	s5 =	sadd.s32 $0xFFF0BE00, s5  }
0x1e2: {  	v12 =	vadd.s32 s5, v5;
	_ =	sdelay $0x4  }
0x1e3: {  	v12 =	vld.idx.msk [tilespmem:v12+s20+$0x0], $0xffff  }
0x1e4: {  	v13 =	vadd.s32 s5, v9;
	_ =	sdelay $0x1  }
0x1e5: {  	s7 =	sshll.u32 s19, $0x9  }
0x1e6: {  	s7 =	sshra.s32 s7, $0x2;
	_ =	sdelay $0x1  }
0x1e7: {  	[tilespmem:s7+$0x1D200] =	vst v12  }
0x1e8: {  	v12 =	vld.idx.msk [tilespmem:v13+s20+$0x0], $0xffff  }
0x1e9: {  	v13 =	vadd.s32 s5, v10;
	_ =	sdelay $0x4  }
0x1ea: {  	[tilespmem:s7+$0x1D210] =	vst v12  }
0x1eb: {  	v12 =	vld.idx.msk [tilespmem:v13+s20+$0x0], $0xffff  }
0x1ec: {  	v13 =	vadd.s32 s5, v11;
	_ =	sdelay $0x4  }
0x1ed: {  	[tilespmem:s7+$0x1D220] =	vst v12  }
0x1ee: {  	v12 =	vld.idx.msk [tilespmem:v13+s20+$0x0], $0xffff;
	_ =	sdelay $0x3  }
.Ltmp21:
0x1ef: {  	s19 =	sadd.s32 $0x1, s19;
	s3 =	sand.u32 $0x1FFFFFF0, s3;
	(pc) =	sbr.rel @!p0 .LBB2_32-.Ltmp21, $4  }
0x1f0: {  	p1 =	slt.s32 s19, $0x40;
	s8 =	sadd.s32 s14, s3;
	s5 =	sadd.s32 $0x1D200, s7  }
0x1f1: {  	p2 =	sgt.s32 s19, $0x3F;
	s3 =	simm.s32 @!p1 $0x3;
	[tilespmem:s7+$0x1D230] =	vst v12  }
0x1f2: {  	[hbm4b:s8+s6] =	stream.linear.scatter [tilespmem:s5], [sflag:$0x3], $0x80, $0x38;
	[tilespmem:$0x1F200] =	vst v63  }
0x1f3: {  	s19 =	simm.s32 @p2 $0x0;
	_ =	swait.ge @!p1 [sflag:s3], $0x2000  }
.LBB2_33:
.Ltmp22:
0x1f4: {  	(pc) =	sbr.rel .LBB2_25-.Ltmp22, $3  }
0x1f5: {  	_ =	sdelay $0x1  }
0x1f6: {  	[sflag:s3] =	ssyncset.done @!p1 $0x0  }
0x1f7: {  	[sflag:s3] =	ssyncadd.s32 @!p1 $0xFFFFE000  }
.LBB2_24:
0x1f8: {  	s10 =	rddreg [dreg:$0x18]  }
.LBB2_25:
0x1f9: {  	p0 =	sgt.s32 s19, $0x0  }
.Ltmp23:
0x1fa: {  	_ = 	snop;
	(pc) =	sbr.rel @!p0 .LBB2_29-.Ltmp23, $1  }
0x1fb: {  	_ =	sdelay $0x3  }
0x1fc: {  	p0 =	sne.s32 s19, $0x1  }
.Ltmp24:
0x1fd: {  	_ = 	snop;
	(pc) =	sbr.rel @!p0 .LBB2_28-.Ltmp24, $3  }
0x1fe: {  	_ =	sdelay $0x1  }
0x1ff: {  	_ =	swait.ge [sflag:s25], $0x80  }
0x200: {  	s0 =	sadd.s32 $0xFFFFFFFF, s19;
	[sflag:s25] =	ssyncset.done $0x0  }
.LBB2_27:
0x201: {  	p0 =	sne.s32 s0, $0x1;
	s0 =	sadd.s32 $0xFFFFFFFF, s0;
	[sflag:s25] =	ssyncadd.s32 $0xFFFFFF80  }
.Ltmp25:
0x202: {  	(pc) =	sbr.rel @p0 .LBB2_27-.Ltmp25, $3  }
0x203: {  	_ =	sdelay $0x1  }
0x204: {  	_ =	swait.ge [sflag:s25], $0x80  }
0x205: {  	[sflag:s25] =	ssyncset.done $0x0  }
.Ltmp26:
0x206: {  	_ = 	snop;
	(pc) =	sbr.rel .LBB2_28-.Ltmp26, $1  }
0x207: {  	_ =	sdelay $0x3  }
.LBB2_30:
0x208: {  	_ =	sfence.sel $0x180000  }
0x209: {  	[bflag:$0x0] =	sbarrier.arrive $0xFFFF  }
0x20a: {  	_ =	strace $0x90000047  }
0x20b: {  	s0 =	stileid.u32;
	[bflag:$0x2] =	sbarrier.arrive $0xFFFF  }
0x20c: {  	p0 =	sne.s32 s0, $0x0;
	s0 =	rddreg [dreg:$0x4]  }
0x20d: {  	s0 =	sadd.s32 @!p0 $0x100000, s0  }
0x20e: {  	[sflag:s0] =	ssyncadd.tile.s32 @!p0 $0x1;
	_ =	shalt  }
.Lfunc_end2:
_tile_overlayer_lowered:
.L_overlay_start_2:
0x20f: {  	(tag) =	ssettag $0x2  }
0x210: {  	s0 =	rddreg [dreg:$0x0];
	s2 =	stileid.u32  }
0x211: {  	s1 =	rddreg [dreg:$0x1];
	p0 =	sne.s32 s2, $0x0  }
0x212: {  	s3 =	rddreg [dreg:$0x2];
	[bflag:$0x3] =	sbarrier.arrive $0xFFFF;
	s2 =	simm.s32 @!p0 $0x1C04  }
0x213: {  	[timem:s3], [sflag:s2] =	dma.local @!p0 [hbm:s0], s1  }
0x214: {  	s0 =	simm.s32 @!p0 $0x4  }
0x215: {  	_ =	swait.ge @!p0 [sflag:s0], s1  }
0x216: {  	s1 =	ssub.s32 @!p0 $0x0, s1;
	[sflag:s0] =	ssyncset.done @!p0 $0x0  }
0x217: {  	[sflag:s0] =	ssyncadd.s32 @!p0 s1  }
0x218: {  	[bflag:$0x3] =	sbarrier.arrive $0xFFFF  }
0x219: {  	_ =	shalt  }

</sc_bundles>
